<compile_context>
chip_gen: v7x
topology: tpu7x:2x2x1
jax: 0.10.2.dev20260603
libtpu: 0.0.44.dev20260713+nightly
codegen_flags: <defaults>
</compile_context>

<pallas_src>
import functools

import jax
import jax.numpy as jnp
from jax import lax
from jax.experimental import pallas as pl
from jax.experimental.pallas import tpu as pltpu
from jax.experimental.pallas import tpu_sc as plsc

_NSEG = 512
_SEGCHUNK = 128
_NCHUNK = _NSEG // _SEGCHUNK
_ACC_ROWS = _NSEG + _SEGCHUNK
_NW = 32
_CH = 128


def _stage1(batch_ref, x_ref, w1_ref, b1_ref, w2_ref, w2row_ref, b2_ref,
            xe_ref, den_out_ref, den_ref, *, nblocks, bn):
    blk = pl.program_id(0)

    @pl.when(blk == 0)
    def _init():
        den_ref[...] = jnp.zeros_like(den_ref)

    xb = x_ref[...]
    xb16 = xb.astype(jnp.bfloat16)
    h = jnp.tanh(
        jax.lax.dot_general(xb16, w1_ref[...], (((1,), (0,)), ((), ())),
                            preferred_element_type=jnp.float32)
        + b1_ref[...])
    h16 = h.astype(jnp.bfloat16)
    lrow = jax.lax.dot_general(w2_ref[...], h16, (((0,), (1,)), ((), ())),
                               preferred_element_type=jnp.float32)
    erow = jnp.exp(lrow + b2_ref[0, 0]).astype(jnp.bfloat16)
    lcol = jnp.sum(h * w2row_ref[...], axis=1, keepdims=True)
    xe_ref[...] = xb * jnp.exp(lcol + b2_ref[0, 0])

    brow = batch_ref[0]
    bmin = batch_ref[0, 0, 0]
    bmax = batch_ref[0, 0, bn - 1]
    base = (bmin // 8) * 8
    ones8 = jnp.ones((bn, 8), jnp.bfloat16)
    subl = jax.lax.broadcasted_iota(jnp.int16, (_SEGCHUNK, bn), 0)

    def _den(anchor, sl):
        rel = (brow - anchor).astype(jnp.int16)
        owt = jnp.where(rel == subl, erow, jnp.bfloat16(0))
        dcol = jax.lax.dot_general(owt, ones8, (((1,), (0,)), ((), ())),
                                   preferred_element_type=jnp.float32)
        den_ref[sl, :] = den_ref[sl, :] + dcol[:, 0:1]

    @pl.when(bmax - base < _SEGCHUNK)
    def _fast():
        _den(base, pl.ds(base, _SEGCHUNK))

    @pl.when(bmax - base >= _SEGCHUNK)
    def _slow():
        for c in range(_NCHUNK):
            @pl.when((bmin < (c + 1) * _SEGCHUNK) & (bmax >= c * _SEGCHUNK))
            def _chunk(c=c):
                _den(c * _SEGCHUNK, pl.ds(c * _SEGCHUNK, _SEGCHUNK))

    @pl.when(blk == nblocks - 1)
    def _finish():
        den_out_ref[...] = den_ref[0:_NSEG, :]


def _sc_scatter(xe_hbm, batch_hbm, zeros_hbm, out_hbm, buf, idx_v, idx_rem,
                acc, *, n):
    cid = lax.axis_index("c")
    sid = lax.axis_index("s")
    wid = cid * (_NW // 2) + sid
    per_w = (n // (_NW * _CH)) * _CH
    start = wid * per_w

    @pl.when(sid == 0)
    def _zero():
        pltpu.sync_copy(zeros_hbm, acc)

    plsc.subcore_barrier()

    def body(k, _):
        off = start + k * _CH
        pltpu.sync_copy(xe_hbm.at[pl.ds(off, _CH)], buf)
        pltpu.sync_copy(batch_hbm.at[pl.ds(off, _CH)], idx_v)
        pltpu.sync_copy(buf, acc.at[idx_v], add=True)
        return 0

    lax.fori_loop(0, per_w // _CH, body, 0)

    tail_lo = _NW * per_w

    @pl.when(wid == _NW - 1)
    def _tail():
        ntail_full = (n - tail_lo) // _CH

        def tbody(k, _):
            off = tail_lo + k * _CH
            pltpu.sync_copy(xe_hbm.at[pl.ds(off, _CH)], buf)
            pltpu.sync_copy(batch_hbm.at[pl.ds(off, _CH)], idx_v)
            pltpu.sync_copy(buf, acc.at[idx_v], add=True)
            return 0

        lax.fori_loop(0, ntail_full, tbody, 0)
        rem = n - tail_lo - ntail_full * _CH
        if rem:
            off = tail_lo + ntail_full * _CH
            pltpu.sync_copy(xe_hbm.at[pl.ds(off, rem)],
                            buf.at[pl.ds(0, rem)])
            pltpu.sync_copy(batch_hbm.at[pl.ds(off, rem)], idx_rem)
            pltpu.sync_copy(buf.at[pl.ds(0, rem)], acc.at[idx_rem],
                            add=True)

    plsc.subcore_barrier()

    @pl.when(sid == 0)
    def _flush():
        pltpu.sync_copy(acc, out_hbm.at[cid])


def _stage3(p_ref, den_ref, out_ref):
    acc = p_ref[0] + p_ref[1]
    out_ref[...] = acc / (den_ref[...] + 1e-16)


def kernel(x, batch, W1, b1, W2, b2):
    n, d = x.shape
    bn = 4000
    nblocks = pl.cdiv(n, bn)

    batch3d = batch.reshape(nblocks, 1, bn)
    b1r = b1.reshape(1, d)
    w2col = W2.astype(jnp.bfloat16)
    w2row = W2.reshape(1, d)
    b2r = b2.reshape(1, 1)
    w1_16 = W1.astype(jnp.bfloat16)

    xe, den = pl.pallas_call(
        functools.partial(_stage1, nblocks=nblocks, bn=bn),
        grid=(nblocks,),
        in_specs=[
            pl.BlockSpec((1, 1, bn), lambda i: (i, 0, 0)),
            pl.BlockSpec((bn, d), lambda i: (i, 0)),
            pl.BlockSpec((d, d), lambda i: (0, 0)),
            pl.BlockSpec((1, d), lambda i: (0, 0)),
            pl.BlockSpec((d, 1), lambda i: (0, 0)),
            pl.BlockSpec((1, d), lambda i: (0, 0)),
            pl.BlockSpec((1, 1), lambda i: (0, 0)),
        ],
        out_specs=[
            pl.BlockSpec((bn, d), lambda i: (i, 0)),
            pl.BlockSpec((_NSEG, 1), lambda i: (0, 0)),
        ],
        out_shape=[
            jax.ShapeDtypeStruct((n, d), jnp.float32),
            jax.ShapeDtypeStruct((_NSEG, 1), jnp.float32),
        ],
        scratch_shapes=[pltpu.VMEM((_ACC_ROWS, 1), jnp.float32)],
        compiler_params=pltpu.CompilerParams(
            dimension_semantics=("arbitrary",),
        ),
    )(batch3d, x, w1_16, b1r, w2col, w2row, b2r)

    zeros = jnp.zeros((_NSEG, d), jnp.float32)
    mesh = plsc.VectorSubcoreMesh(core_axis_name="c", subcore_axis_name="s")
    partials = pl.kernel(
        functools.partial(_sc_scatter, n=n),
        mesh=mesh,
        out_type=jax.ShapeDtypeStruct((2, _NSEG, d), jnp.float32),
        scratch_types=[
            pltpu.VMEM((_CH, d), jnp.float32),
            pltpu.VMEM((_CH,), jnp.int32),
            pltpu.VMEM((32,), jnp.int32),
            pltpu.VMEM_SHARED((_NSEG, d), jnp.float32),
        ],
    )(xe, batch, zeros)

    out = pl.pallas_call(
        _stage3,
        out_shape=jax.ShapeDtypeStruct((_NSEG, d), jnp.float32),
    )(partials, den)
    return out

# --- scband reference (transcript-rebuilt; emitter-appended) ---
"""Pipeline reference for scband-attention-pooling-16544214024629 (READ-ONLY COPY).

The authoritative reference and input builder live on the scoring server;
editing this copy changes nothing except your own understanding.
"""

import jax, jax.numpy as jnp
import numpy as np

N = 100000
D = 128
NUM_SEGMENTS = 512


def setup_inputs(seed: int = 0) -> dict:
    key = jax.random.key(seed)
    k1, k2, k3, k4 = jax.random.split(key, 4)
    x = jax.random.normal(k1, (N, D), dtype=jnp.float32)
    batch = jnp.sort(jax.random.randint(k2, (N,), 0, NUM_SEGMENTS)).astype(jnp.int32)
    W1 = jax.random.normal(k3, (D, D), dtype=jnp.float32) * (1.0 / np.sqrt(D))
    b1 = jnp.zeros((D,), dtype=jnp.float32)
    W2 = jax.random.normal(k4, (D, 1), dtype=jnp.float32) * (1.0 / np.sqrt(D))
    b2 = jnp.zeros((1,), dtype=jnp.float32)
    return {"x": x, "batch": batch, "W1": W1, "b1": b1, "W2": W2, "b2": b2}


def reference(x, batch, W1, b1, W2, b2):
    # attention MLP: Linear -> Tanh -> Linear(->1)
    h = jnp.tanh(x @ W1 + b1)
    logits = h @ W2 + b2  # [N, 1]
    # segment softmax over dim 0 (torch_geometric.utils.softmax semantics)
    lmax = jax.ops.segment_max(logits, batch, num_segments=NUM_SEGMENTS)
    lmax = jnp.where(jnp.isfinite(lmax), lmax, 0.0)  # guard empty segments
    e = jnp.exp(logits - lmax[batch])
    denom = jax.ops.segment_sum(e, batch, num_segments=NUM_SEGMENTS)
    w = e / (denom[batch] + 1e-16)  # [N, 1]
    # weighted scatter-sum pooling
    out = jax.ops.segment_sum(x * w, batch, num_segments=NUM_SEGMENTS)  # [S, D]
    return out

if __name__ == "__main__":
    import jax
    _d = setup_inputs()
    print(jax.jit(kernel)(*tuple(_d.values())))

</pallas_src>

<mosaic_0001>
#map = affine_map<(d0, d1) -> (0, 0)>
#map1 = affine_map<(d0, d1) -> (0)>
#map2 = affine_map<(d0, d1) -> (0, 0, 0)>
module attributes {stable_mosaic.version = 14 : i64} {
  func.func @_sc_scatter(%arg0: i32, %arg1: i32, %arg2: memref<100000x128xf32, #tpu.memory_space<hbm>>, %arg3: memref<100000xi32, #tpu.memory_space<hbm>>, %arg4: memref<512x128xf32, #tpu.memory_space<hbm>>, %arg5: memref<2x512x128xf32, #tpu.memory_space<hbm>>, %arg6: memref<128x128xf32, #tpu.memory_space<vmem>>, %arg7: memref<128xi32, #tpu.memory_space<vmem>>, %arg8: memref<32xi32, #tpu.memory_space<vmem>>, %arg9: memref<512x128xf32, #tpu.memory_space<vmem_shared>>) attributes {dimension_semantics = [#tpu.dimension_semantics<core_parallel>, #tpu.dimension_semantics<subcore_parallel>], iteration_bounds = array<i64: 2, 16>, scalar_prefetch = 0 : i64, scratch_operands = 4 : i64, tpu.core_type = #tpu.core_type<sc_vector_subcore>, window_params = [{transform_indices = #map}, {transform_indices = #map1}, {transform_indices = #map}, {transform_indices = #map2}]} {
    %mul3A = arith.constant 16 : i32
    %mul3A_0 = arith.muli %arg0, %mul3A : i32
    %add3A = arith.addi %mul3A_0, %arg1 : i32
    %mul3A_1 = arith.constant 3072 : i32
    %mul3A_2 = arith.muli %add3A, %mul3A_1 : i32
    %eq3A = arith.constant 0 : i32
    %eq3A_3 = arith.cmpi eq, %arg1, %eq3A : i32
    %convert_element_type3A = arith.extui %eq3A_3 : i1 to i32
    %cond3A = arith.constant 0 : i32
    %cond3A_4 = arith.cmpi ne, %convert_element_type3A, %cond3A : i32
    scf.if %cond3A_4 {
      "tpu.region"() ({
        %run_scoped3A = tpu.sem_alloc : memref<!tpu.dma_semaphore, #tpu.memory_space<semaphore_mem>>
        tpu.enqueue_dma source(%arg4 : memref<512x128xf32, #tpu.memory_space<hbm>>) target(%arg9 : memref<512x128xf32, #tpu.memory_space<vmem_shared>>) target_semaphore(%run_scoped3A : memref<!tpu.dma_semaphore, #tpu.memory_space<semaphore_mem>>)
        tpu.wait_dma2 semaphore(%run_scoped3A : memref<!tpu.dma_semaphore, #tpu.memory_space<semaphore_mem>>) src(%arg4 : memref<512x128xf32, #tpu.memory_space<hbm>>) dst(%arg9 : memref<512x128xf32, #tpu.memory_space<vmem_shared>>)
        tpu.yield
      }) : () -> ()
    } else {
    }
    %barrier3A = arith.constant 0 : index
    tpu.barrier barrier_id(%barrier3A)
    %scan3A = arith.constant 0 : i32
    %scan3A_5 = arith.constant 0 : i32
    %scan3A_6 = arith.constant 24 : i32
    %scan3A_7 = arith.addi %scan3A_5, %scan3A_6 : i32
    %scan3A_8 = arith.constant 1 : i32
    %scan3A_9 = scf.for %scan3A_22 = %scan3A_5 to %scan3A_7 step %scan3A_8 iter_args(%scan3A_23 = %scan3A) -> (i32)  : i32 {
      %mul3A_24 = arith.constant 128 : i32
      %mul3A_25 = arith.muli %scan3A_22, %mul3A_24 : i32
      %add3A_26 = arith.addi %mul3A_2, %mul3A_25 : i32
      "tpu.region"() ({
        %run_scoped3A = tpu.sem_alloc : memref<!tpu.dma_semaphore, #tpu.memory_space<semaphore_mem>>
        %dma_start3A = arith.constant 0 : i32
        %dma_start3A_28 = tpu.memref_slice %arg2[%add3A_26, %dma_start3A] : memref<100000x128xf32, #tpu.memory_space<hbm>> -> memref<128x128xf32, #tpu.memory_space<hbm>>
        %dma_start3A_29 = arith.constant 0 : i32
        %dma_start3A_30 = tpu.memref_slice %arg2[%add3A_26, %dma_start3A_29] : memref<100000x128xf32, #tpu.memory_space<hbm>> -> memref<128x128xf32, #tpu.memory_space<hbm>>
        tpu.enqueue_dma source(%dma_start3A_30 : memref<128x128xf32, #tpu.memory_space<hbm>>) target(%arg6 : memref<128x128xf32, #tpu.memory_space<vmem>>) target_semaphore(%run_scoped3A : memref<!tpu.dma_semaphore, #tpu.memory_space<semaphore_mem>>)
        %dma_wait3A = arith.constant 0 : i32
        %dma_wait3A_31 = tpu.memref_slice %arg2[%add3A_26, %dma_wait3A] : memref<100000x128xf32, #tpu.memory_space<hbm>> -> memref<128x128xf32, #tpu.memory_space<hbm>>
        %dma_wait3A_32 = arith.constant 0 : i32
        %dma_wait3A_33 = tpu.memref_slice %arg2[%add3A_26, %dma_wait3A_32] : memref<100000x128xf32, #tpu.memory_space<hbm>> -> memref<128x128xf32, #tpu.memory_space<hbm>>
        tpu.wait_dma2 semaphore(%run_scoped3A : memref<!tpu.dma_semaphore, #tpu.memory_space<semaphore_mem>>) src(%dma_wait3A_33 : memref<128x128xf32, #tpu.memory_space<hbm>>) dst(%arg6 : memref<128x128xf32, #tpu.memory_space<vmem>>)
        tpu.yield
      }) : () -> ()
      "tpu.region"() ({
        %run_scoped3A = tpu.sem_alloc : memref<!tpu.dma_semaphore, #tpu.memory_space<semaphore_mem>>
        %dma_start3A = tpu.memref_slice %arg3[%add3A_26] : memref<100000xi32, #tpu.memory_space<hbm>> -> memref<128xi32, #tpu.memory_space<hbm>>
        %dma_start3A_28 = tpu.memref_slice %arg3[%add3A_26] : memref<100000xi32, #tpu.memory_space<hbm>> -> memref<128xi32, #tpu.memory_space<hbm>>
        tpu.enqueue_dma source(%dma_start3A_28 : memref<128xi32, #tpu.memory_space<hbm>>) target(%arg7 : memref<128xi32, #tpu.memory_space<vmem>>) target_semaphore(%run_scoped3A : memref<!tpu.dma_semaphore, #tpu.memory_space<semaphore_mem>>)
        %dma_wait3A = tpu.memref_slice %arg3[%add3A_26] : memref<100000xi32, #tpu.memory_space<hbm>> -> memref<128xi32, #tpu.memory_space<hbm>>
        %dma_wait3A_29 = tpu.memref_slice %arg3[%add3A_26] : memref<100000xi32, #tpu.memory_space<hbm>> -> memref<128xi32, #tpu.memory_space<hbm>>
        tpu.wait_dma2 semaphore(%run_scoped3A : memref<!tpu.dma_semaphore, #tpu.memory_space<semaphore_mem>>) src(%dma_wait3A_29 : memref<128xi32, #tpu.memory_space<hbm>>) dst(%arg7 : memref<128xi32, #tpu.memory_space<vmem>>)
        tpu.yield
      }) : () -> ()
      "tpu.region"() ({
        %run_scoped3A = tpu.sem_alloc : memref<!tpu.dma_semaphore, #tpu.memory_space<semaphore_mem>>
        %dma_start3A = arith.constant 0 : i32
        %dma_start3A_28 = arith.constant 0 : i32
        %dma_start3A_29 = tpu.memref_slice %arg9[%dma_start3A, %dma_start3A_28] : memref<512x128xf32, #tpu.memory_space<vmem_shared>> -> memref<512x128xf32, #tpu.memory_space<vmem_shared>>
        tpu.enqueue_indirect_dma source(%arg6 : memref<128x128xf32, #tpu.memory_space<vmem>>) target(%dma_start3A_29 : memref<512x128xf32, #tpu.memory_space<vmem_shared>>) offsets(%arg7 : memref<128xi32, #tpu.memory_space<vmem>>) semaphore(%run_scoped3A : memref<!tpu.dma_semaphore, #tpu.memory_space<semaphore_mem>>) {add = true}
        %dma_wait3A = arith.constant 0 : i32
        %dma_wait3A_30 = arith.constant 0 : i32
        %dma_wait3A_31 = tpu.memref_slice %arg9[%dma_wait3A, %dma_wait3A_30] : memref<512x128xf32, #tpu.memory_space<vmem_shared>> -> memref<512x128xf32, #tpu.memory_space<vmem_shared>>
        tpu.wait_indirect_dma semaphore(%run_scoped3A : memref<!tpu.dma_semaphore, #tpu.memory_space<semaphore_mem>>) src(%arg6 : memref<128x128xf32, #tpu.memory_space<vmem>>) dst(%dma_wait3A_31 : memref<512x128xf32, #tpu.memory_space<vmem_shared>>)
        tpu.yield
      }) : () -> ()
      %scan3A_27 = arith.constant 0 : i32
      scf.yield %scan3A_27 : i32
    }
    %scan3A_10 = arith.constant 24 : i32
    %eq3A_11 = arith.constant 31 : i32
    %eq3A_12 = arith.cmpi eq, %add3A, %eq3A_11 : i32
    %convert_element_type3A_13 = arith.extui %eq3A_12 : i1 to i32
    %cond3A_14 = arith.constant 0 : i32
    %cond3A_15 = arith.cmpi ne, %convert_element_type3A_13, %cond3A_14 : i32
    scf.if %cond3A_15 {
      %scan3A_22 = arith.constant 0 : i32
      %scan3A_23 = arith.constant 0 : i32
      %scan3A_24 = arith.constant 13 : i32
      %scan3A_25 = arith.addi %scan3A_23, %scan3A_24 : i32
      %scan3A_26 = arith.constant 1 : i32
      %scan3A_27 = scf.for %scan3A_29 = %scan3A_23 to %scan3A_25 step %scan3A_26 iter_args(%scan3A_30 = %scan3A_22) -> (i32)  : i32 {
        %mul3A_31 = arith.constant 128 : i32
        %mul3A_32 = arith.muli %scan3A_29, %mul3A_31 : i32
        %add3A_33 = arith.constant 98304 : i32
        %add3A_34 = arith.addi %add3A_33, %mul3A_32 : i32
        "tpu.region"() ({
          %run_scoped3A = tpu.sem_alloc : memref<!tpu.dma_semaphore, #tpu.memory_space<semaphore_mem>>
          %dma_start3A = arith.constant 0 : i32
          %dma_start3A_36 = tpu.memref_slice %arg2[%add3A_34, %dma_start3A] : memref<100000x128xf32, #tpu.memory_space<hbm>> -> memref<128x128xf32, #tpu.memory_space<hbm>>
          %dma_start3A_37 = arith.constant 0 : i32
          %dma_start3A_38 = tpu.memref_slice %arg2[%add3A_34, %dma_start3A_37] : memref<100000x128xf32, #tpu.memory_space<hbm>> -> memref<128x128xf32, #tpu.memory_space<hbm>>
          tpu.enqueue_dma source(%dma_start3A_38 : memref<128x128xf32, #tpu.memory_space<hbm>>) target(%arg6 : memref<128x128xf32, #tpu.memory_space<vmem>>) target_semaphore(%run_scoped3A : memref<!tpu.dma_semaphore, #tpu.memory_space<semaphore_mem>>)
          %dma_wait3A = arith.constant 0 : i32
          %dma_wait3A_39 = tpu.memref_slice %arg2[%add3A_34, %dma_wait3A] : memref<100000x128xf32, #tpu.memory_space<hbm>> -> memref<128x128xf32, #tpu.memory_space<hbm>>
          %dma_wait3A_40 = arith.constant 0 : i32
          %dma_wait3A_41 = tpu.memref_slice %arg2[%add3A_34, %dma_wait3A_40] : memref<100000x128xf32, #tpu.memory_space<hbm>> -> memref<128x128xf32, #tpu.memory_space<hbm>>
          tpu.wait_dma2 semaphore(%run_scoped3A : memref<!tpu.dma_semaphore, #tpu.memory_space<semaphore_mem>>) src(%dma_wait3A_41 : memref<128x128xf32, #tpu.memory_space<hbm>>) dst(%arg6 : memref<128x128xf32, #tpu.memory_space<vmem>>)
          tpu.yield
        }) : () -> ()
        "tpu.region"() ({
          %run_scoped3A = tpu.sem_alloc : memref<!tpu.dma_semaphore, #tpu.memory_space<semaphore_mem>>
          %dma_start3A = tpu.memref_slice %arg3[%add3A_34] : memref<100000xi32, #tpu.memory_space<hbm>> -> memref<128xi32, #tpu.memory_space<hbm>>
          %dma_start3A_36 = tpu.memref_slice %arg3[%add3A_34] : memref<100000xi32, #tpu.memory_space<hbm>> -> memref<128xi32, #tpu.memory_space<hbm>>
          tpu.enqueue_dma source(%dma_start3A_36 : memref<128xi32, #tpu.memory_space<hbm>>) target(%arg7 : memref<128xi32, #tpu.memory_space<vmem>>) target_semaphore(%run_scoped3A : memref<!tpu.dma_semaphore, #tpu.memory_space<semaphore_mem>>)
          %dma_wait3A = tpu.memref_slice %arg3[%add3A_34] : memref<100000xi32, #tpu.memory_space<hbm>> -> memref<128xi32, #tpu.memory_space<hbm>>
          %dma_wait3A_37 = tpu.memref_slice %arg3[%add3A_34] : memref<100000xi32, #tpu.memory_space<hbm>> -> memref<128xi32, #tpu.memory_space<hbm>>
          tpu.wait_dma2 semaphore(%run_scoped3A : memref<!tpu.dma_semaphore, #tpu.memory_space<semaphore_mem>>) src(%dma_wait3A_37 : memref<128xi32, #tpu.memory_space<hbm>>) dst(%arg7 : memref<128xi32, #tpu.memory_space<vmem>>)
          tpu.yield
        }) : () -> ()
        "tpu.region"() ({
          %run_scoped3A = tpu.sem_alloc : memref<!tpu.dma_semaphore, #tpu.memory_space<semaphore_mem>>
          %dma_start3A = arith.constant 0 : i32
          %dma_start3A_36 = arith.constant 0 : i32
          %dma_start3A_37 = tpu.memref_slice %arg9[%dma_start3A, %dma_start3A_36] : memref<512x128xf32, #tpu.memory_space<vmem_shared>> -> memref<512x128xf32, #tpu.memory_space<vmem_shared>>
          tpu.enqueue_indirect_dma source(%arg6 : memref<128x128xf32, #tpu.memory_space<vmem>>) target(%dma_start3A_37 : memref<512x128xf32, #tpu.memory_space<vmem_shared>>) offsets(%arg7 : memref<128xi32, #tpu.memory_space<vmem>>) semaphore(%run_scoped3A : memref<!tpu.dma_semaphore, #tpu.memory_space<semaphore_mem>>) {add = true}
          %dma_wait3A = arith.constant 0 : i32
          %dma_wait3A_38 = arith.constant 0 : i32
          %dma_wait3A_39 = tpu.memref_slice %arg9[%dma_wait3A, %dma_wait3A_38] : memref<512x128xf32, #tpu.memory_space<vmem_shared>> -> memref<512x128xf32, #tpu.memory_space<vmem_shared>>
          tpu.wait_indirect_dma semaphore(%run_scoped3A : memref<!tpu.dma_semaphore, #tpu.memory_space<semaphore_mem>>) src(%arg6 : memref<128x128xf32, #tpu.memory_space<vmem>>) dst(%dma_wait3A_39 : memref<512x128xf32, #tpu.memory_space<vmem_shared>>)
          tpu.yield
        }) : () -> ()
        %scan3A_35 = arith.constant 0 : i32
        scf.yield %scan3A_35 : i32
      }
      %scan3A_28 = arith.constant 13 : i32
      "tpu.region"() ({
        %run_scoped3A = tpu.sem_alloc : memref<!tpu.dma_semaphore, #tpu.memory_space<semaphore_mem>>
        %dma_start3A = arith.constant 0 : i32
        %dma_start3A_29 = arith.constant 0 : i32
        %dma_start3A_30 = tpu.memref_slice %arg6[%dma_start3A, %dma_start3A_29] : memref<128x128xf32, #tpu.memory_space<vmem>> -> memref<32x128xf32, #tpu.memory_space<vmem>>
        %dma_start3A_31 = arith.constant 99968 : i32
        %dma_start3A_32 = arith.constant 0 : i32
        %dma_start3A_33 = tpu.memref_slice %arg2[%dma_start3A_31, %dma_start3A_32] : memref<100000x128xf32, #tpu.memory_space<hbm>> -> memref<32x128xf32, #tpu.memory_space<hbm>>
        %dma_start3A_34 = arith.constant 0 : i32
        %dma_start3A_35 = arith.constant 0 : i32
        %dma_start3A_36 = tpu.memref_slice %arg6[%dma_start3A_34, %dma_start3A_35] : memref<128x128xf32, #tpu.memory_space<vmem>> -> memref<32x128xf32, #tpu.memory_space<vmem>>
        %dma_start3A_37 = arith.constant 99968 : i32
        %dma_start3A_38 = arith.constant 0 : i32
        %dma_start3A_39 = tpu.memref_slice %arg2[%dma_start3A_37, %dma_start3A_38] : memref<100000x128xf32, #tpu.memory_space<hbm>> -> memref<32x128xf32, #tpu.memory_space<hbm>>
        tpu.enqueue_dma source(%dma_start3A_39 : memref<32x128xf32, #tpu.memory_space<hbm>>) target(%dma_start3A_36 : memref<32x128xf32, #tpu.memory_space<vmem>>) target_semaphore(%run_scoped3A : memref<!tpu.dma_semaphore, #tpu.memory_space<semaphore_mem>>)
        %dma_wait3A = arith.constant 0 : i32
        %dma_wait3A_40 = arith.constant 0 : i32
        %dma_wait3A_41 = tpu.memref_slice %arg6[%dma_wait3A, %dma_wait3A_40] : memref<128x128xf32, #tpu.memory_space<vmem>> -> memref<32x128xf32, #tpu.memory_space<vmem>>
        %dma_wait3A_42 = arith.constant 99968 : i32
        %dma_wait3A_43 = arith.constant 0 : i32
        %dma_wait3A_44 = tpu.memref_slice %arg2[%dma_wait3A_42, %dma_wait3A_43] : memref<100000x128xf32, #tpu.memory_space<hbm>> -> memref<32x128xf32, #tpu.memory_space<hbm>>
        %dma_wait3A_45 = arith.constant 0 : i32
        %dma_wait3A_46 = arith.constant 0 : i32
        %dma_wait3A_47 = tpu.memref_slice %arg6[%dma_wait3A_45, %dma_wait3A_46] : memref<128x128xf32, #tpu.memory_space<vmem>> -> memref<32x128xf32, #tpu.memory_space<vmem>>
        %dma_wait3A_48 = arith.constant 99968 : i32
        %dma_wait3A_49 = arith.constant 0 : i32
        %dma_wait3A_50 = tpu.memref_slice %arg2[%dma_wait3A_48, %dma_wait3A_49] : memref<100000x128xf32, #tpu.memory_space<hbm>> -> memref<32x128xf32, #tpu.memory_space<hbm>>
        tpu.wait_dma2 semaphore(%run_scoped3A : memref<!tpu.dma_semaphore, #tpu.memory_space<semaphore_mem>>) src(%dma_wait3A_50 : memref<32x128xf32, #tpu.memory_space<hbm>>) dst(%dma_wait3A_47 : memref<32x128xf32, #tpu.memory_space<vmem>>)
        tpu.yield
      }) : () -> ()
      "tpu.region"() ({
        %run_scoped3A = tpu.sem_alloc : memref<!tpu.dma_semaphore, #tpu.memory_space<semaphore_mem>>
        %dma_start3A = arith.constant 99968 : i32
        %dma_start3A_29 = tpu.memref_slice %arg3[%dma_start3A] : memref<100000xi32, #tpu.memory_space<hbm>> -> memref<32xi32, #tpu.memory_space<hbm>>
        %dma_start3A_30 = arith.constant 99968 : i32
        %dma_start3A_31 = tpu.memref_slice %arg3[%dma_start3A_30] : memref<100000xi32, #tpu.memory_space<hbm>> -> memref<32xi32, #tpu.memory_space<hbm>>
        tpu.enqueue_dma source(%dma_start3A_31 : memref<32xi32, #tpu.memory_space<hbm>>) target(%arg8 : memref<32xi32, #tpu.memory_space<vmem>>) target_semaphore(%run_scoped3A : memref<!tpu.dma_semaphore, #tpu.memory_space<semaphore_mem>>)
        %dma_wait3A = arith.constant 99968 : i32
        %dma_wait3A_32 = tpu.memref_slice %arg3[%dma_wait3A] : memref<100000xi32, #tpu.memory_space<hbm>> -> memref<32xi32, #tpu.memory_space<hbm>>
        %dma_wait3A_33 = arith.constant 99968 : i32
        %dma_wait3A_34 = tpu.memref_slice %arg3[%dma_wait3A_33] : memref<100000xi32, #tpu.memory_space<hbm>> -> memref<32xi32, #tpu.memory_space<hbm>>
        tpu.wait_dma2 semaphore(%run_scoped3A : memref<!tpu.dma_semaphore, #tpu.memory_space<semaphore_mem>>) src(%dma_wait3A_34 : memref<32xi32, #tpu.memory_space<hbm>>) dst(%arg8 : memref<32xi32, #tpu.memory_space<vmem>>)
        tpu.yield
      }) : () -> ()
      "tpu.region"() ({
        %run_scoped3A = tpu.sem_alloc : memref<!tpu.dma_semaphore, #tpu.memory_space<semaphore_mem>>
        %dma_start3A = arith.constant 0 : i32
        %dma_start3A_29 = arith.constant 0 : i32
        %dma_start3A_30 = tpu.memref_slice %arg6[%dma_start3A, %dma_start3A_29] : memref<128x128xf32, #tpu.memory_space<vmem>> -> memref<32x128xf32, #tpu.memory_space<vmem>>
        %dma_start3A_31 = arith.constant 0 : i32
        %dma_start3A_32 = arith.constant 0 : i32
        %dma_start3A_33 = tpu.memref_slice %arg9[%dma_start3A_31, %dma_start3A_32] : memref<512x128xf32, #tpu.memory_space<vmem_shared>> -> memref<512x128xf32, #tpu.memory_space<vmem_shared>>
        tpu.enqueue_indirect_dma source(%dma_start3A_30 : memref<32x128xf32, #tpu.memory_space<vmem>>) target(%dma_start3A_33 : memref<512x128xf32, #tpu.memory_space<vmem_shared>>) offsets(%arg8 : memref<32xi32, #tpu.memory_space<vmem>>) semaphore(%run_scoped3A : memref<!tpu.dma_semaphore, #tpu.memory_space<semaphore_mem>>) {add = true}
        %dma_wait3A = arith.constant 0 : i32
        %dma_wait3A_34 = arith.constant 0 : i32
        %dma_wait3A_35 = tpu.memref_slice %arg6[%dma_wait3A, %dma_wait3A_34] : memref<128x128xf32, #tpu.memory_space<vmem>> -> memref<32x128xf32, #tpu.memory_space<vmem>>
        %dma_wait3A_36 = arith.constant 0 : i32
        %dma_wait3A_37 = arith.constant 0 : i32
        %dma_wait3A_38 = tpu.memref_slice %arg9[%dma_wait3A_36, %dma_wait3A_37] : memref<512x128xf32, #tpu.memory_space<vmem_shared>> -> memref<512x128xf32, #tpu.memory_space<vmem_shared>>
        tpu.wait_indirect_dma semaphore(%run_scoped3A : memref<!tpu.dma_semaphore, #tpu.memory_space<semaphore_mem>>) src(%dma_wait3A_35 : memref<32x128xf32, #tpu.memory_space<vmem>>) dst(%dma_wait3A_38 : memref<512x128xf32, #tpu.memory_space<vmem_shared>>)
        tpu.yield
      }) : () -> ()
    } else {
    }
    %barrier3A_16 = arith.constant 0 : index
    tpu.barrier barrier_id(%barrier3A_16)
    %eq3A_17 = arith.constant 0 : i32
    %eq3A_18 = arith.cmpi eq, %arg1, %eq3A_17 : i32
    %convert_element_type3A_19 = arith.extui %eq3A_18 : i1 to i32
    %cond3A_20 = arith.constant 0 : i32
    %cond3A_21 = arith.cmpi ne, %convert_element_type3A_19, %cond3A_20 : i32
    scf.if %cond3A_21 {
      "tpu.region"() ({
        %run_scoped3A = tpu.sem_alloc : memref<!tpu.dma_semaphore, #tpu.memory_space<semaphore_mem>>
        %dma_start3A = arith.constant 0 : i32
        %dma_start3A_22 = arith.constant 0 : i32
        %dma_start3A_23 = tpu.memref_slice %arg5[%arg0, %dma_start3A, %dma_start3A_22] : memref<2x512x128xf32, #tpu.memory_space<hbm>> -> memref<1x512x128xf32, #tpu.memory_space<hbm>>
        %dma_start3A_24 = tpu.memref_squeeze %dma_start3A_23 : memref<1x512x128xf32, #tpu.memory_space<hbm>> -> memref<512x128xf32, #tpu.memory_space<hbm>>
        tpu.enqueue_dma source(%arg9 : memref<512x128xf32, #tpu.memory_space<vmem_shared>>) target(%dma_start3A_24 : memref<512x128xf32, #tpu.memory_space<hbm>>) target_semaphore(%run_scoped3A : memref<!tpu.dma_semaphore, #tpu.memory_space<semaphore_mem>>)
        %dma_wait3A = arith.constant 0 : i32
        %dma_wait3A_25 = arith.constant 0 : i32
        %dma_wait3A_26 = tpu.memref_slice %arg5[%arg0, %dma_wait3A, %dma_wait3A_25] : memref<2x512x128xf32, #tpu.memory_space<hbm>> -> memref<1x512x128xf32, #tpu.memory_space<hbm>>
        %dma_wait3A_27 = tpu.memref_squeeze %dma_wait3A_26 : memref<1x512x128xf32, #tpu.memory_space<hbm>> -> memref<512x128xf32, #tpu.memory_space<hbm>>
        tpu.wait_dma2 semaphore(%run_scoped3A : memref<!tpu.dma_semaphore, #tpu.memory_space<semaphore_mem>>) src(%arg9 : memref<512x128xf32, #tpu.memory_space<vmem_shared>>) dst(%dma_wait3A_27 : memref<512x128xf32, #tpu.memory_space<hbm>>)
        tpu.yield
      }) : () -> ()
    } else {
    }
    return
  }
}

module attributes {stable_mosaic.version = 14 : i64} {
  func.func @_stage3(%arg0: memref<2x512x128xf32, #tpu.memory_space<vmem>>, %arg1: memref<512x1xf32, #tpu.memory_space<vmem>>, %arg2: memref<512x128xf32, #tpu.memory_space<vmem>>) attributes {dimension_semantics = [], scalar_prefetch = 0 : i64, scratch_operands = 0 : i64, tpu.core_type = #tpu.core_type<tc>} {
    %get3A = arith.constant 0 : index
    %get3A_0 = arith.constant 0 : index
    %get3A_1 = arith.constant 0 : index
    %get3A_2 = vector.load %arg0[%get3A, %get3A_0, %get3A_1] : memref<2x512x128xf32, #tpu.memory_space<vmem>>, vector<1x512x128xf32>
    %get3A_3 = vector.shape_cast %get3A_2 : vector<1x512x128xf32> to vector<512x128xf32>
    %get3A_4 = arith.constant 1 : index
    %get3A_5 = arith.constant 0 : index
    %get3A_6 = arith.constant 0 : index
    %get3A_7 = vector.load %arg0[%get3A_4, %get3A_5, %get3A_6] : memref<2x512x128xf32, #tpu.memory_space<vmem>>, vector<1x512x128xf32>
    %get3A_8 = vector.shape_cast %get3A_7 : vector<1x512x128xf32> to vector<512x128xf32>
    %add3A = arith.addf %get3A_3, %get3A_8 : vector<512x128xf32>
    %get3A_9 = arith.constant 0 : index
    %get3A_10 = arith.constant 0 : index
    %get3A_11 = vector.load %arg1[%get3A_9, %get3A_10] : memref<512x1xf32, #tpu.memory_space<vmem>>, vector<512x1xf32>
    %add3A_12 = arith.constant 1.000000e-16 : f32
    %add3A_13 = vector.broadcast %add3A_12 : f32 to vector<512x1xf32>
    %add3A_14 = arith.addf %get3A_11, %add3A_13 : vector<512x1xf32>
    %div3A = vector.broadcast %add3A_14 : vector<512x1xf32> to vector<512x128xf32>
    %div3A_15 = arith.divf %add3A, %div3A : vector<512x128xf32>
    %swap3A = arith.constant 0 : index
    %swap3A_16 = arith.constant 0 : index
    %swap3A_17 = vector.load %arg2[%swap3A, %swap3A_16] : memref<512x128xf32, #tpu.memory_space<vmem>>, vector<512x128xf32>
    tpu.vector_store %arg2[%swap3A, %swap3A_16], %div3A_15 {strides = array<i32>} : memref<512x128xf32, #tpu.memory_space<vmem>>, vector<512x128xf32>,
    return
  }
}

module attributes {stable_mosaic.version = 14 : i64} {
  func.func @_stage1(%arg0: i32, %arg1: memref<1x1x4000xi32, #tpu.memory_space<vmem>>, %arg2: memref<4000x128xf32, #tpu.memory_space<vmem>>, %arg3: memref<128x128xbf16, #tpu.memory_space<vmem>>, %arg4: memref<1x128xf32, #tpu.memory_space<vmem>>, %arg5: memref<128x1xbf16, #tpu.memory_space<vmem>>, %arg6: memref<1x128xf32, #tpu.memory_space<vmem>>, %arg7: memref<1x1xf32, #tpu.memory_space<vmem>>, %arg8: memref<4000x128xf32, #tpu.memory_space<vmem>>, %arg9: memref<512x1xf32, #tpu.memory_space<vmem>>, %arg10: memref<640x1xf32, #tpu.memory_space<vmem>>) attributes {dimension_semantics = [#tpu.dimension_semantics<arbitrary>], iteration_bounds = array<i64: 25>, scalar_prefetch = 0 : i64, scratch_operands = 1 : i64, tpu.core_type = #tpu.core_type<tc>, window_params = [{transform_indices = @transform_0, window_bounds = array<i64: 1, 1, 4000>}, {transform_indices = @transform_1, window_bounds = array<i64: 4000, 128>}, {pipeline_mode = #tpu.pipeline_mode<synchronous>, transform_indices = @transform_2, window_bounds = array<i64: 128, 128>}, {pipeline_mode = #tpu.pipeline_mode<synchronous>, transform_indices = @transform_3, window_bounds = array<i64: 1, 128>}, {pipeline_mode = #tpu.pipeline_mode<synchronous>, transform_indices = @transform_4, window_bounds = array<i64: 128, 1>}, {pipeline_mode = #tpu.pipeline_mode<synchronous>, transform_indices = @transform_5, window_bounds = array<i64: 1, 128>}, {pipeline_mode = #tpu.pipeline_mode<synchronous>, transform_indices = @transform_6, window_bounds = array<i64: 1, 1>}, {transform_indices = @transform_7, window_bounds = array<i64: 4000, 128>}, {pipeline_mode = #tpu.pipeline_mode<synchronous>, transform_indices = @transform_8, window_bounds = array<i64: 512, 1>}]} {
    %eq3A = arith.constant 0 : i32
    %eq3A_0 = arith.cmpi eq, %arg0, %eq3A : i32
    %convert_element_type3A = arith.extui %eq3A_0 : i1 to i32
    %cond3A = arith.constant 0 : i32
    %cond3A_1 = arith.cmpi ne, %convert_element_type3A, %cond3A : i32
    scf.if %cond3A_1 {
      %broadcast_in_dim3A_92 = arith.constant 0.000000e+00 : f32
      %broadcast_in_dim3A_93 = vector.broadcast %broadcast_in_dim3A_92 : f32 to vector<640x1xf32>
      %swap3A_94 = arith.constant 0 : index
      %swap3A_95 = arith.constant 0 : index
      %swap3A_96 = vector.load %arg10[%swap3A_94, %swap3A_95] : memref<640x1xf32, #tpu.memory_space<vmem>>, vector<640x1xf32>
      tpu.vector_store %arg10[%swap3A_94, %swap3A_95], %broadcast_in_dim3A_93 {strides = array<i32>} : memref<640x1xf32, #tpu.memory_space<vmem>>, vector<640x1xf32>,
    } else {
    }
    %get3A = arith.constant 0 : index
    %get3A_2 = arith.constant 0 : index
    %get3A_3 = vector.load %arg2[%get3A, %get3A_2] : memref<4000x128xf32, #tpu.memory_space<vmem>>, vector<4000x128xf32>
    %convert_element_type3A_4 = arith.truncf %get3A_3 : vector<4000x128xf32> to vector<4000x128xbf16>
    %get3A_5 = arith.constant 0 : index
    %get3A_6 = arith.constant 0 : index
    %get3A_7 = vector.load %arg3[%get3A_5, %get3A_6] : memref<128x128xbf16, #tpu.memory_space<vmem>>, vector<128x128xbf16>
    %dot_general3A = arith.constant dense<0.000000e+00> : vector<4000x128xf32>
    %dot_general3A_8 = tpu.matmul %convert_element_type3A_4, %get3A_7, %dot_general3A {dimension_numbers = #tpu.dot_dimension_numbers<[1], [0], [0], [1], [0, 0, 1, 1], [], []>, transpose_lhs_hint = false} : vector<4000x128xbf16>, vector<128x128xbf16>, vector<4000x128xf32> -> vector<4000x128xf32>
    %get3A_9 = arith.constant 0 : index
    %get3A_10 = arith.constant 0 : index
    %get3A_11 = vector.load %arg4[%get3A_9, %get3A_10] : memref<1x128xf32, #tpu.memory_space<vmem>>, vector<1x128xf32>
    %add3A = vector.broadcast %get3A_11 : vector<1x128xf32> to vector<4000x128xf32>
    %add3A_12 = arith.addf %dot_general3A_8, %add3A : vector<4000x128xf32>
    %tanh3A = math.tanh %add3A_12 : vector<4000x128xf32>
    %convert_element_type3A_13 = arith.truncf %tanh3A : vector<4000x128xf32> to vector<4000x128xbf16>
    %get3A_14 = arith.constant 0 : index
    %get3A_15 = arith.constant 0 : index
    %get3A_16 = vector.load %arg5[%get3A_14, %get3A_15] : memref<128x1xbf16, #tpu.memory_space<vmem>>, vector<128x1xbf16>
    %dot_general3A_17 = arith.constant dense<0.000000e+00> : vector<1x4000xf32>
    %dot_general3A_18 = tpu.matmul %get3A_16, %convert_element_type3A_13, %dot_general3A_17 {dimension_numbers = #tpu.dot_dimension_numbers<[0], [1], [1], [0], [0, 1, 1, 0], [], []>, transpose_lhs_hint = false} : vector<128x1xbf16>, vector<4000x128xbf16>, vector<1x4000xf32> -> vector<1x4000xf32>
    %get3A_19 = arith.constant 0 : index
    %get3A_20 = arith.constant 0 : index
    %get3A_21 = vector.load %arg7[%get3A_19, %get3A_20] : memref<1x1xf32, #tpu.memory_space<vmem>>, vector<1x1xf32>
    %get3A_22 = vector.extract %get3A_21[0, 0] : f32 from vector<1x1xf32>
    %add3A_23 = vector.broadcast %get3A_22 : f32 to vector<1x4000xf32>
    %add3A_24 = arith.addf %dot_general3A_18, %add3A_23 : vector<1x4000xf32>
    %exp3A = math.exp %add3A_24 : vector<1x4000xf32>
    %convert_element_type3A_25 = arith.truncf %exp3A : vector<1x4000xf32> to vector<1x4000xbf16>
    %get3A_26 = arith.constant 0 : index
    %get3A_27 = arith.constant 0 : index
    %get3A_28 = vector.load %arg6[%get3A_26, %get3A_27] : memref<1x128xf32, #tpu.memory_space<vmem>>, vector<1x128xf32>
    %mul3A = vector.broadcast %get3A_28 : vector<1x128xf32> to vector<4000x128xf32>
    %mul3A_29 = arith.mulf %tanh3A, %mul3A : vector<4000x128xf32>
    %reduce_sum3A = arith.constant dense<0.000000e+00> : vector<4000xf32>
    %reduce_sum3A_30 = vector.multi_reduction <add>, %mul3A_29, %reduce_sum3A [1] : vector<4000x128xf32> to vector<4000xf32>
    %broadcast_in_dim3A = vector.shape_cast %reduce_sum3A_30 : vector<4000xf32> to vector<4000x1xf32>
    %get3A_31 = arith.constant 0 : index
    %get3A_32 = arith.constant 0 : index
    %get3A_33 = vector.load %arg7[%get3A_31, %get3A_32] : memref<1x1xf32, #tpu.memory_space<vmem>>, vector<1x1xf32>
    %get3A_34 = vector.extract %get3A_33[0, 0] : f32 from vector<1x1xf32>
    %add3A_35 = vector.broadcast %get3A_34 : f32 to vector<4000x1xf32>
    %add3A_36 = arith.addf %broadcast_in_dim3A, %add3A_35 : vector<4000x1xf32>
    %exp3A_37 = math.exp %add3A_36 : vector<4000x1xf32>
    %mul3A_38 = vector.broadcast %exp3A_37 : vector<4000x1xf32> to vector<4000x128xf32>
    %mul3A_39 = arith.mulf %get3A_3, %mul3A_38 : vector<4000x128xf32>
    %swap3A = arith.constant 0 : index
    %swap3A_40 = arith.constant 0 : index
    %swap3A_41 = vector.load %arg8[%swap3A, %swap3A_40] : memref<4000x128xf32, #tpu.memory_space<vmem>>, vector<4000x128xf32>
    tpu.vector_store %arg8[%swap3A, %swap3A_40], %mul3A_39 {strides = array<i32>} : memref<4000x128xf32, #tpu.memory_space<vmem>>, vector<4000x128xf32>,
    %get3A_42 = arith.constant 0 : index
    %get3A_43 = arith.constant 0 : index
    %get3A_44 = arith.constant 0 : index
    %get3A_45 = vector.load %arg1[%get3A_42, %get3A_43, %get3A_44] : memref<1x1x4000xi32, #tpu.memory_space<vmem>>, vector<1x1x4000xi32>
    %get3A_46 = vector.shape_cast %get3A_45 : vector<1x1x4000xi32> to vector<1x4000xi32>
    %get3A_47 = arith.constant 0 : index
    %get3A_48 = arith.constant 0 : index
    %get3A_49 = arith.constant 0 : index
    %get3A_50 = vector.load %arg1[%get3A_47, %get3A_48, %get3A_49] : memref<1x1x4000xi32, #tpu.memory_space<vmem>>, vector<1x1x1xi32>
    %get3A_51 = vector.extract %get3A_50[0, 0, 0] : i32 from vector<1x1x1xi32>
    %get3A_52 = arith.constant 0 : index
    %get3A_53 = arith.constant 0 : index
    %get3A_54 = arith.constant 3999 : index
    %get3A_55 = vector.load %arg1[%get3A_52, %get3A_53, %get3A_54] : memref<1x1x4000xi32, #tpu.memory_space<vmem>>, vector<1x1x1xi32>
    %get3A_56 = vector.extract %get3A_55[0, 0, 0] : i32 from vector<1x1x1xi32>
    %jit3A = arith.constant 8 : i32
    %div3A = arith.divsi %get3A_51, %jit3A : i32
    %sign3A = arith.constant 0 : i32
    %sign3A_57 = arith.cmpi sgt, %get3A_51, %sign3A : i32
    %sign3A_58 = arith.extui %sign3A_57 : i1 to i32
    %sign3A_59 = arith.constant 0 : i32
    %sign3A_60 = arith.cmpi slt, %get3A_51, %sign3A_59 : i32
    %sign3A_61 = arith.extui %sign3A_60 : i1 to i32
    %sign3A_62 = arith.subi %sign3A_58, %sign3A_61 : i32
    %sign3A_63 = arith.constant 0 : i32
    %sign3A_64 = arith.cmpi sgt, %jit3A, %sign3A_63 : i32
    %sign3A_65 = arith.extui %sign3A_64 : i1 to i32
    %sign3A_66 = arith.constant 0 : i32
    %sign3A_67 = arith.cmpi slt, %jit3A, %sign3A_66 : i32
    %sign3A_68 = arith.extui %sign3A_67 : i1 to i32
    %sign3A_69 = arith.subi %sign3A_65, %sign3A_68 : i32
    %ne3A = arith.cmpi ne, %sign3A_62, %sign3A_69 : i32
    %rem3A = arith.remsi %get3A_51, %jit3A : i32
    %ne3A_70 = arith.constant 0 : i32
    %ne3A_71 = arith.cmpi ne, %rem3A, %ne3A_70 : i32
    %and3A = arith.andi %ne3A, %ne3A_71 : i1
    %sub3A = arith.constant 1 : i32
    %sub3A_72 = arith.subi %div3A, %sub3A : i32
    %select_n3A = arith.select %and3A, %sub3A_72, %div3A : i32
    %mul3A_73 = arith.constant 8 : i32
    %mul3A_74 = arith.muli %select_n3A, %mul3A_73 : i32
    %broadcast_in_dim3A_75 = arith.constant 1.000000e+00 : bf16
    %broadcast_in_dim3A_76 = vector.broadcast %broadcast_in_dim3A_75 : bf16 to vector<4000x8xbf16>
    %iota3A = tpu.iota {dimensions = array<i32: 0>} : vector<128x4000xi16>
    %sub3A_77 = arith.subi %get3A_56, %mul3A_74 : i32
    %lt3A = arith.constant 128 : i32
    %lt3A_78 = arith.cmpi slt, %sub3A_77, %lt3A : i32
    %convert_element_type3A_79 = arith.extui %lt3A_78 : i1 to i32
    %cond3A_80 = arith.constant 0 : i32
    %cond3A_81 = arith.cmpi ne, %convert_element_type3A_79, %cond3A_80 : i32
    scf.if %cond3A_81 {
      %sub3A_92 = vector.broadcast %mul3A_74 : i32 to vector<1x4000xi32>
      %sub3A_93 = arith.subi %get3A_46, %sub3A_92 : vector<1x4000xi32>
      %convert_element_type3A_94 = arith.trunci %sub3A_93 : vector<1x4000xi32> to vector<1x4000xi16>
      %eq3A_95 = vector.broadcast %convert_element_type3A_94 : vector<1x4000xi16> to vector<128x4000xi16>
      %eq3A_96 = arith.cmpi eq, %eq3A_95, %iota3A : vector<128x4000xi16>
      %jit3A_97 = arith.constant 0.000000e+00 : bf16
      %broadcast_in_dim3A_98 = vector.shape_cast %convert_element_type3A_25 : vector<1x4000xbf16> to vector<1x4000xbf16>
      %broadcast_in_dim3A_99 = vector.broadcast %broadcast_in_dim3A_98 : vector<1x4000xbf16> to vector<128x4000xbf16>
      %broadcast_in_dim3A_100 = vector.broadcast %jit3A_97 : bf16 to vector<128x4000xbf16>
      %select_n3A_101 = arith.select %eq3A_96, %broadcast_in_dim3A_99, %broadcast_in_dim3A_100 : vector<128x4000xi1>, vector<128x4000xbf16>
      %dot_general3A_102 = arith.constant dense<0.000000e+00> : vector<128x8xf32>
      %dot_general3A_103 = tpu.matmul %select_n3A_101, %broadcast_in_dim3A_76, %dot_general3A_102 {dimension_numbers = #tpu.dot_dimension_numbers<[1], [0], [0], [1], [0, 0, 1, 1], [], []>, transpose_lhs_hint = false} : vector<128x4000xbf16>, vector<4000x8xbf16>, vector<128x8xf32> -> vector<128x8xf32>
      %get3A_104 = arith.index_cast %mul3A_74 : i32 to index
      %get3A_105 = arith.constant 0 : index
      %get3A_106 = vector.load %arg10[%get3A_104, %get3A_105] : memref<640x1xf32, #tpu.memory_space<vmem>>, vector<128x1xf32>
      %slice3A = vector.extract_strided_slice %dot_general3A_103 {offsets = [0, 0], sizes = [128, 1], strides = [1, 1]} : vector<128x8xf32> to vector<128x1xf32>
      %add3A_107 = arith.addf %get3A_106, %slice3A : vector<128x1xf32>
      %swap3A_108 = arith.index_cast %mul3A_74 : i32 to index
      %swap3A_109 = arith.constant 0 : index
      %swap3A_110 = vector.load %arg10[%swap3A_108, %swap3A_109] : memref<640x1xf32, #tpu.memory_space<vmem>>, vector<128x1xf32>
      tpu.vector_store %arg10[%swap3A_108, %swap3A_109], %add3A_107 {strides = array<i32>} : memref<640x1xf32, #tpu.memory_space<vmem>>, vector<128x1xf32>,
    } else {
    }
    %sub3A_82 = arith.subi %get3A_56, %mul3A_74 : i32
    %ge3A = arith.constant 128 : i32
    %ge3A_83 = arith.cmpi sge, %sub3A_82, %ge3A : i32
    %convert_element_type3A_84 = arith.extui %ge3A_83 : i1 to i32
    %cond3A_85 = arith.constant 0 : i32
    %cond3A_86 = arith.cmpi ne, %convert_element_type3A_84, %cond3A_85 : i32
    scf.if %cond3A_86 {
      %lt3A_92 = arith.constant 128 : i32
      %lt3A_93 = arith.cmpi slt, %get3A_51, %lt3A_92 : i32
      %ge3A_94 = arith.constant 0 : i32
      %ge3A_95 = arith.cmpi sge, %get3A_56, %ge3A_94 : i32
      %and3A_96 = arith.andi %lt3A_93, %ge3A_95 : i1
      %convert_element_type3A_97 = arith.extui %and3A_96 : i1 to i32
      %cond3A_98 = arith.constant 0 : i32
      %cond3A_99 = arith.cmpi ne, %convert_element_type3A_97, %cond3A_98 : i32
      scf.if %cond3A_99 {
        %sub3A_124 = arith.constant 0 : i32
        %sub3A_125 = vector.broadcast %sub3A_124 : i32 to vector<1x4000xi32>
        %sub3A_126 = arith.subi %get3A_46, %sub3A_125 : vector<1x4000xi32>
        %convert_element_type3A_127 = arith.trunci %sub3A_126 : vector<1x4000xi32> to vector<1x4000xi16>
        %eq3A_128 = vector.broadcast %convert_element_type3A_127 : vector<1x4000xi16> to vector<128x4000xi16>
        %eq3A_129 = arith.cmpi eq, %eq3A_128, %iota3A : vector<128x4000xi16>
        %jit3A_130 = arith.constant 0.000000e+00 : bf16
        %broadcast_in_dim3A_131 = vector.shape_cast %convert_element_type3A_25 : vector<1x4000xbf16> to vector<1x4000xbf16>
        %broadcast_in_dim3A_132 = vector.broadcast %broadcast_in_dim3A_131 : vector<1x4000xbf16> to vector<128x4000xbf16>
        %broadcast_in_dim3A_133 = vector.broadcast %jit3A_130 : bf16 to vector<128x4000xbf16>
        %select_n3A_134 = arith.select %eq3A_129, %broadcast_in_dim3A_132, %broadcast_in_dim3A_133 : vector<128x4000xi1>, vector<128x4000xbf16>
        %dot_general3A_135 = arith.constant dense<0.000000e+00> : vector<128x8xf32>
        %dot_general3A_136 = tpu.matmul %select_n3A_134, %broadcast_in_dim3A_76, %dot_general3A_135 {dimension_numbers = #tpu.dot_dimension_numbers<[1], [0], [0], [1], [0, 0, 1, 1], [], []>, transpose_lhs_hint = false} : vector<128x4000xbf16>, vector<4000x8xbf16>, vector<128x8xf32> -> vector<128x8xf32>
        %get3A_137 = arith.constant 0 : index
        %get3A_138 = arith.constant 0 : index
        %get3A_139 = vector.load %arg10[%get3A_137, %get3A_138] : memref<640x1xf32, #tpu.memory_space<vmem>>, vector<128x1xf32>
        %slice3A = vector.extract_strided_slice %dot_general3A_136 {offsets = [0, 0], sizes = [128, 1], strides = [1, 1]} : vector<128x8xf32> to vector<128x1xf32>
        %add3A_140 = arith.addf %get3A_139, %slice3A : vector<128x1xf32>
        %swap3A_141 = arith.constant 0 : index
        %swap3A_142 = arith.constant 0 : index
        %swap3A_143 = vector.load %arg10[%swap3A_141, %swap3A_142] : memref<640x1xf32, #tpu.memory_space<vmem>>, vector<128x1xf32>
        tpu.vector_store %arg10[%swap3A_141, %swap3A_142], %add3A_140 {strides = array<i32>} : memref<640x1xf32, #tpu.memory_space<vmem>>, vector<128x1xf32>,
      } else {
      }
      %lt3A_100 = arith.constant 256 : i32
      %lt3A_101 = arith.cmpi slt, %get3A_51, %lt3A_100 : i32
      %ge3A_102 = arith.constant 128 : i32
      %ge3A_103 = arith.cmpi sge, %get3A_56, %ge3A_102 : i32
      %and3A_104 = arith.andi %lt3A_101, %ge3A_103 : i1
      %convert_element_type3A_105 = arith.extui %and3A_104 : i1 to i32
      %cond3A_106 = arith.constant 0 : i32
      %cond3A_107 = arith.cmpi ne, %convert_element_type3A_105, %cond3A_106 : i32
      scf.if %cond3A_107 {
        %sub3A_124 = arith.constant 128 : i32
        %sub3A_125 = vector.broadcast %sub3A_124 : i32 to vector<1x4000xi32>
        %sub3A_126 = arith.subi %get3A_46, %sub3A_125 : vector<1x4000xi32>
        %convert_element_type3A_127 = arith.trunci %sub3A_126 : vector<1x4000xi32> to vector<1x4000xi16>
        %eq3A_128 = vector.broadcast %convert_element_type3A_127 : vector<1x4000xi16> to vector<128x4000xi16>
        %eq3A_129 = arith.cmpi eq, %eq3A_128, %iota3A : vector<128x4000xi16>
        %jit3A_130 = arith.constant 0.000000e+00 : bf16
        %broadcast_in_dim3A_131 = vector.shape_cast %convert_element_type3A_25 : vector<1x4000xbf16> to vector<1x4000xbf16>
        %broadcast_in_dim3A_132 = vector.broadcast %broadcast_in_dim3A_131 : vector<1x4000xbf16> to vector<128x4000xbf16>
        %broadcast_in_dim3A_133 = vector.broadcast %jit3A_130 : bf16 to vector<128x4000xbf16>
        %select_n3A_134 = arith.select %eq3A_129, %broadcast_in_dim3A_132, %broadcast_in_dim3A_133 : vector<128x4000xi1>, vector<128x4000xbf16>
        %dot_general3A_135 = arith.constant dense<0.000000e+00> : vector<128x8xf32>
        %dot_general3A_136 = tpu.matmul %select_n3A_134, %broadcast_in_dim3A_76, %dot_general3A_135 {dimension_numbers = #tpu.dot_dimension_numbers<[1], [0], [0], [1], [0, 0, 1, 1], [], []>, transpose_lhs_hint = false} : vector<128x4000xbf16>, vector<4000x8xbf16>, vector<128x8xf32> -> vector<128x8xf32>
        %get3A_137 = arith.constant 128 : index
        %get3A_138 = arith.constant 0 : index
        %get3A_139 = vector.load %arg10[%get3A_137, %get3A_138] : memref<640x1xf32, #tpu.memory_space<vmem>>, vector<128x1xf32>
        %slice3A = vector.extract_strided_slice %dot_general3A_136 {offsets = [0, 0], sizes = [128, 1], strides = [1, 1]} : vector<128x8xf32> to vector<128x1xf32>
        %add3A_140 = arith.addf %get3A_139, %slice3A : vector<128x1xf32>
        %swap3A_141 = arith.constant 128 : index
        %swap3A_142 = arith.constant 0 : index
        %swap3A_143 = vector.load %arg10[%swap3A_141, %swap3A_142] : memref<640x1xf32, #tpu.memory_space<vmem>>, vector<128x1xf32>
        tpu.vector_store %arg10[%swap3A_141, %swap3A_142], %add3A_140 {strides = array<i32>} : memref<640x1xf32, #tpu.memory_space<vmem>>, vector<128x1xf32>,
      } else {
      }
      %lt3A_108 = arith.constant 384 : i32
      %lt3A_109 = arith.cmpi slt, %get3A_51, %lt3A_108 : i32
      %ge3A_110 = arith.constant 256 : i32
      %ge3A_111 = arith.cmpi sge, %get3A_56, %ge3A_110 : i32
      %and3A_112 = arith.andi %lt3A_109, %ge3A_111 : i1
      %convert_element_type3A_113 = arith.extui %and3A_112 : i1 to i32
      %cond3A_114 = arith.constant 0 : i32
      %cond3A_115 = arith.cmpi ne, %convert_element_type3A_113, %cond3A_114 : i32
      scf.if %cond3A_115 {
        %sub3A_124 = arith.constant 256 : i32
        %sub3A_125 = vector.broadcast %sub3A_124 : i32 to vector<1x4000xi32>
        %sub3A_126 = arith.subi %get3A_46, %sub3A_125 : vector<1x4000xi32>
        %convert_element_type3A_127 = arith.trunci %sub3A_126 : vector<1x4000xi32> to vector<1x4000xi16>
        %eq3A_128 = vector.broadcast %convert_element_type3A_127 : vector<1x4000xi16> to vector<128x4000xi16>
        %eq3A_129 = arith.cmpi eq, %eq3A_128, %iota3A : vector<128x4000xi16>
        %jit3A_130 = arith.constant 0.000000e+00 : bf16
        %broadcast_in_dim3A_131 = vector.shape_cast %convert_element_type3A_25 : vector<1x4000xbf16> to vector<1x4000xbf16>
        %broadcast_in_dim3A_132 = vector.broadcast %broadcast_in_dim3A_131 : vector<1x4000xbf16> to vector<128x4000xbf16>
        %broadcast_in_dim3A_133 = vector.broadcast %jit3A_130 : bf16 to vector<128x4000xbf16>
        %select_n3A_134 = arith.select %eq3A_129, %broadcast_in_dim3A_132, %broadcast_in_dim3A_133 : vector<128x4000xi1>, vector<128x4000xbf16>
        %dot_general3A_135 = arith.constant dense<0.000000e+00> : vector<128x8xf32>
        %dot_general3A_136 = tpu.matmul %select_n3A_134, %broadcast_in_dim3A_76, %dot_general3A_135 {dimension_numbers = #tpu.dot_dimension_numbers<[1], [0], [0], [1], [0, 0, 1, 1], [], []>, transpose_lhs_hint = false} : vector<128x4000xbf16>, vector<4000x8xbf16>, vector<128x8xf32> -> vector<128x8xf32>
        %get3A_137 = arith.constant 256 : index
        %get3A_138 = arith.constant 0 : index
        %get3A_139 = vector.load %arg10[%get3A_137, %get3A_138] : memref<640x1xf32, #tpu.memory_space<vmem>>, vector<128x1xf32>
        %slice3A = vector.extract_strided_slice %dot_general3A_136 {offsets = [0, 0], sizes = [128, 1], strides = [1, 1]} : vector<128x8xf32> to vector<128x1xf32>
        %add3A_140 = arith.addf %get3A_139, %slice3A : vector<128x1xf32>
        %swap3A_141 = arith.constant 256 : index
        %swap3A_142 = arith.constant 0 : index
        %swap3A_143 = vector.load %arg10[%swap3A_141, %swap3A_142] : memref<640x1xf32, #tpu.memory_space<vmem>>, vector<128x1xf32>
        tpu.vector_store %arg10[%swap3A_141, %swap3A_142], %add3A_140 {strides = array<i32>} : memref<640x1xf32, #tpu.memory_space<vmem>>, vector<128x1xf32>,
      } else {
      }
      %lt3A_116 = arith.constant 512 : i32
      %lt3A_117 = arith.cmpi slt, %get3A_51, %lt3A_116 : i32
      %ge3A_118 = arith.constant 384 : i32
      %ge3A_119 = arith.cmpi sge, %get3A_56, %ge3A_118 : i32
      %and3A_120 = arith.andi %lt3A_117, %ge3A_119 : i1
      %convert_element_type3A_121 = arith.extui %and3A_120 : i1 to i32
      %cond3A_122 = arith.constant 0 : i32
      %cond3A_123 = arith.cmpi ne, %convert_element_type3A_121, %cond3A_122 : i32
      scf.if %cond3A_123 {
        %sub3A_124 = arith.constant 384 : i32
        %sub3A_125 = vector.broadcast %sub3A_124 : i32 to vector<1x4000xi32>
        %sub3A_126 = arith.subi %get3A_46, %sub3A_125 : vector<1x4000xi32>
        %convert_element_type3A_127 = arith.trunci %sub3A_126 : vector<1x4000xi32> to vector<1x4000xi16>
        %eq3A_128 = vector.broadcast %convert_element_type3A_127 : vector<1x4000xi16> to vector<128x4000xi16>
        %eq3A_129 = arith.cmpi eq, %eq3A_128, %iota3A : vector<128x4000xi16>
        %jit3A_130 = arith.constant 0.000000e+00 : bf16
        %broadcast_in_dim3A_131 = vector.shape_cast %convert_element_type3A_25 : vector<1x4000xbf16> to vector<1x4000xbf16>
        %broadcast_in_dim3A_132 = vector.broadcast %broadcast_in_dim3A_131 : vector<1x4000xbf16> to vector<128x4000xbf16>
        %broadcast_in_dim3A_133 = vector.broadcast %jit3A_130 : bf16 to vector<128x4000xbf16>
        %select_n3A_134 = arith.select %eq3A_129, %broadcast_in_dim3A_132, %broadcast_in_dim3A_133 : vector<128x4000xi1>, vector<128x4000xbf16>
        %dot_general3A_135 = arith.constant dense<0.000000e+00> : vector<128x8xf32>
        %dot_general3A_136 = tpu.matmul %select_n3A_134, %broadcast_in_dim3A_76, %dot_general3A_135 {dimension_numbers = #tpu.dot_dimension_numbers<[1], [0], [0], [1], [0, 0, 1, 1], [], []>, transpose_lhs_hint = false} : vector<128x4000xbf16>, vector<4000x8xbf16>, vector<128x8xf32> -> vector<128x8xf32>
        %get3A_137 = arith.constant 384 : index
        %get3A_138 = arith.constant 0 : index
        %get3A_139 = vector.load %arg10[%get3A_137, %get3A_138] : memref<640x1xf32, #tpu.memory_space<vmem>>, vector<128x1xf32>
        %slice3A = vector.extract_strided_slice %dot_general3A_136 {offsets = [0, 0], sizes = [128, 1], strides = [1, 1]} : vector<128x8xf32> to vector<128x1xf32>
        %add3A_140 = arith.addf %get3A_139, %slice3A : vector<128x1xf32>
        %swap3A_141 = arith.constant 384 : index
        %swap3A_142 = arith.constant 0 : index
        %swap3A_143 = vector.load %arg10[%swap3A_141, %swap3A_142] : memref<640x1xf32, #tpu.memory_space<vmem>>, vector<128x1xf32>
        tpu.vector_store %arg10[%swap3A_141, %swap3A_142], %add3A_140 {strides = array<i32>} : memref<640x1xf32, #tpu.memory_space<vmem>>, vector<128x1xf32>,
      } else {
      }
    } else {
    }
    %eq3A_87 = arith.constant 24 : i32
    %eq3A_88 = arith.cmpi eq, %arg0, %eq3A_87 : i32
    %convert_element_type3A_89 = arith.extui %eq3A_88 : i1 to i32
    %cond3A_90 = arith.constant 0 : i32
    %cond3A_91 = arith.cmpi ne, %convert_element_type3A_89, %cond3A_90 : i32
    scf.if %cond3A_91 {
      %get3A_92 = arith.constant 0 : index
      %get3A_93 = arith.constant 0 : index
      %get3A_94 = vector.load %arg10[%get3A_92, %get3A_93] : memref<640x1xf32, #tpu.memory_space<vmem>>, vector<512x1xf32>
      %swap3A_95 = arith.constant 0 : index
      %swap3A_96 = arith.constant 0 : index
      %swap3A_97 = vector.load %arg9[%swap3A_95, %swap3A_96] : memref<512x1xf32, #tpu.memory_space<vmem>>, vector<512x1xf32>
      tpu.vector_store %arg9[%swap3A_95, %swap3A_96], %get3A_94 {strides = array<i32>} : memref<512x1xf32, #tpu.memory_space<vmem>>, vector<512x1xf32>,
    } else {
    }
    return
  }
  func.func @transform_0(%arg0: i32) -> (i32, i32, i32) {
    %c0_i32 = arith.constant 0 : i32
    %c0_i32_0 = arith.constant 0 : i32
    %c0_i32_1 = arith.constant 0 : i32
    return %arg0, %c0_i32, %c0_i32_0 : i32, i32, i32
  }
  func.func @transform_1(%arg0: i32) -> (i32, i32) {
    %c0_i32 = arith.constant 0 : i32
    %c0_i32_0 = arith.constant 0 : i32
    return %arg0, %c0_i32 : i32, i32
  }
  func.func @transform_2(%arg0: i32) -> (i32, i32) {
    %c0_i32 = arith.constant 0 : i32
    %c0_i32_0 = arith.constant 0 : i32
    %c0_i32_1 = arith.constant 0 : i32
    return %c0_i32, %c0_i32_0 : i32, i32
  }
  func.func @transform_3(%arg0: i32) -> (i32, i32) {
    %c0_i32 = arith.constant 0 : i32
    %c0_i32_0 = arith.constant 0 : i32
    %c0_i32_1 = arith.constant 0 : i32
    return %c0_i32, %c0_i32_0 : i32, i32
  }
  func.func @transform_4(%arg0: i32) -> (i32, i32) {
    %c0_i32 = arith.constant 0 : i32
    %c0_i32_0 = arith.constant 0 : i32
    %c0_i32_1 = arith.constant 0 : i32
    return %c0_i32, %c0_i32_0 : i32, i32
  }
  func.func @transform_5(%arg0: i32) -> (i32, i32) {
    %c0_i32 = arith.constant 0 : i32
    %c0_i32_0 = arith.constant 0 : i32
    %c0_i32_1 = arith.constant 0 : i32
    return %c0_i32, %c0_i32_0 : i32, i32
  }
  func.func @transform_6(%arg0: i32) -> (i32, i32) {
    %c0_i32 = arith.constant 0 : i32
    %c0_i32_0 = arith.constant 0 : i32
    %c0_i32_1 = arith.constant 0 : i32
    return %c0_i32, %c0_i32_0 : i32, i32
  }
  func.func @transform_7(%arg0: i32) -> (i32, i32) {
    %c0_i32 = arith.constant 0 : i32
    %c0_i32_0 = arith.constant 0 : i32
    return %arg0, %c0_i32 : i32, i32
  }
  func.func @transform_8(%arg0: i32) -> (i32, i32) {
    %c0_i32 = arith.constant 0 : i32
    %c0_i32_0 = arith.constant 0 : i32
    %c0_i32_1 = arith.constant 0 : i32
    return %c0_i32, %c0_i32_0 : i32, i32
  }
}

</mosaic_0001>

<sc_bundles>
// kernel: kernel.5.cloned.1.call-start
scs
__scs_entry_jumppad:
0x0: {  	(pc) =	sbr.rel $0x88, $3  }
0x1: {  	(tag) =	ssettag $0x0;
	lr =	simm.s32 $0x1  }
0x2: {  	[smem:$0x3F9B] =	sst lr;
	_ =	strace $0xD0000000  }
0x3: {  	_ = 	snop  }
0x4: {  	_ = 	snop  }
0x5: {  	_ = 	snop  }
0x6: {  	_ = 	snop  }
0x7: {  	_ = 	snop  }
__scs_overlays_trampoline_lowered:
0x8: {  	[smem:$0x3FAA] =	sst s0  }
0x9: {  	[smem:$0x3FAB] =	sst s1  }
0xa: {  	[smem:$0x3FAC] =	sst s2  }
0xb: {  	[smem:$0x3FAD] =	sst s3  }
0xc: {  	[smem:$0x3FAE] =	sst s4  }
0xd: {  	[smem:$0x3FAF] =	sst s5  }
0xe: {  	[smem:$0x3FB0] =	sst s6  }
0xf: {  	[smem:$0x3FB1] =	sst s7  }
0x10: {  	[smem:$0x3FB2] =	sst s8  }
0x11: {  	[smem:$0x3FB3] =	sst s9;
	s0 =	simm.s32 @!p0 $0x0  }
0x12: {  	s1 =	sld [smem:$0x3F99];
	s0 =	simm.s32 @p0 $0x1  }
0x13: {  	[smem:$0x3FB4] =	sst s0;
	s0 =	simm.s32 @!p1 $0x0  }
0x14: {  	s2 =	sld [smem:$0x3F98];
	s0 =	simm.s32 @p1 $0x1  }
0x15: {  	[smem:$0x3FB5] =	sst s0;
	s0 =	simm.s32 @!p2 $0x0  }
0x16: {  	s3 =	sld [smem:$0x3FDB];
	s0 =	simm.s32 @p2 $0x1  }
0x17: {  	s4 =	simm.s32 $0x1BF5;
	[smem:$0x3FB7] =	sst s0  }
0x18: {  	s0 =	sld [smem:$0x3F9A];
	_ =	swait.ge [sflag:s4], $0x0  }
0x19: {  	s7 =	sld [smem:$0x3F9B]  }
0x1a: {  	s8 =	sadd.s32 $0xFFFFE003, lr  }
0x1b: {  	s9 =	sadd.s32 $0xFFFFFEF7, lr;
	s5 =	simm.s32 $0xFFFFFFFF;
	p2 =	slt.u32 s8, $0xFFFFF086  }
0x1c: {  	p1 =	slt.u32 s9, $0xF7A;
	s5 =	simm.s32 @!p2 $0x0  }
0x1d: {  	s5 =	simm.s32 @p1 $0x1;
	p0 =	seq.s32 s7, s2  }
0x1e: {  	s7 =	smul.u32 @!p0 $0xF7A, s2;
	p2 =	seq.s32 @!p0 s5, $0x0  }
0x1f: {  	s9 =	smul.u32 $0xF7A, s1;
	s8 =	simm.s32 @!p0 $0x1BF5;
	p2 =	por !p2, p0  }
0x20: {  	[sflag:s8] =	ssyncset.s32 @!p0 $0xFFFFF086;
	s6 =	sadd.s32 @!p0 s3, s7;
	s7 =	simm.s32 @!p0 $0x108  }
0x21: {  	s3 =	sadd.s32 s3, s9;
	s6 =	sadd.s32 @!p0 $0x88, s6;
	s7 =	simm.s32 @p2 $0x1082  }
0x22: {  	[simem:s7], [sflag:s8] =	dma.local @!p0 [hbm:s6], $0xF7A  }
0x23: {  	s9 =	sor.u32 $0xD0000000, s2;
	s6 =	simm.s32 $0x108;
	_ =	swait.ge @!p0 [sflag:s8], $0x0  }
0x24: {  	s3 =	sadd.s32 $0x88, s3;
	s6 =	simm.s32 @!p1 $0x1082;
	[sflag:s4] =	ssyncset.s32 $0xFFFFF086  }
0x25: {  	[simem:s6], [sflag:s4] =	dma.local [hbm:s3], $0xF7A  }
0x26: {  	[smem:$0x3F9B] =	sst s1;
	(tag) =	ssettag s2;
	_ =	strace s9  }
0x27: {  	s1 =	sld [smem:$0x3FAB]  }
0x28: {  	s2 =	sld [smem:$0x3FAC]  }
0x29: {  	s4 =	sld [smem:$0x3FAE]  }
0x2a: {  	p0 =	seq.s32 s5, $0x0;
	s5 =	sld [smem:$0x3FAF]  }
0x2b: {  	s6 =	sld [smem:$0x3FB0]  }
0x2c: {  	s7 =	sld [smem:$0x3FB1]  }
0x2d: {  	s3 =	simm.s32 $0x108;
	s8 =	sld [smem:$0x3FB2]  }
0x2e: {  	s3 =	simm.s32 @!p0 $0x1082;
	s9 =	sld [smem:$0x3FB3]  }
0x2f: {  	lr =	sadd.s32 s0, s3;
	s0 =	sld [smem:$0x3FAA]  }
0x30: {  	s3 =	sld [smem:$0x3FAD]  }
0x31: {  	[smem:$0x3FB6] =	sst s10  }
0x32: {  	s10 =	sld [smem:$0x3FB4];
	_ =	sdelay $0x3  }
0x33: {  	p0 =	seq.s32 s10, $0x1;
	s10 =	sld [smem:$0x3FB6];
	_ =	sdelay $0x3  }
0x34: {  	[smem:$0x3FB6] =	sst s10  }
0x35: {  	s10 =	sld [smem:$0x3FB5];
	_ =	sdelay $0x3  }
0x36: {  	p1 =	seq.s32 s10, $0x1;
	s10 =	sld [smem:$0x3FB6];
	_ =	sdelay $0x3  }
0x37: {  	[smem:$0x3FB6] =	sst s10  }
0x38: {  	s10 =	sld [smem:$0x3FB7]  }
0x39: {  	_ = 	snop;
	(pc) =	sbr.ind lr, $3  }
0x3a: {  	_ = 	snop  }
0x3b: {  	_ = 	snop  }
0x3c: {  	p2 =	seq.s32 s10, $0x1;
	s10 =	sld [smem:$0x3FB6]  }
0x3d: {  	_ =	shalt  }
0x3e: {  	_ =	shalt  }
0x3f: {  	_ =	shalt  }
0x40: {  	_ =	shalt  }
0x41: {  	_ =	shalt  }
0x42: {  	_ =	shalt  }
0x43: {  	_ =	shalt  }
0x44: {  	_ =	shalt  }
0x45: {  	_ =	shalt  }
0x46: {  	_ =	shalt  }
0x47: {  	_ =	shalt  }
0x48: {  	_ =	shalt  }
0x49: {  	_ =	shalt  }
0x4a: {  	_ =	shalt  }
0x4b: {  	_ =	shalt  }
0x4c: {  	_ =	shalt  }
0x4d: {  	_ =	shalt  }
0x4e: {  	_ =	shalt  }
0x4f: {  	_ =	shalt  }
0x50: {  	_ =	shalt  }
0x51: {  	_ =	shalt  }
0x52: {  	_ =	shalt  }
0x53: {  	_ =	shalt  }
0x54: {  	_ =	shalt  }
0x55: {  	_ =	shalt  }
0x56: {  	_ =	shalt  }
0x57: {  	_ =	shalt  }
0x58: {  	_ =	shalt  }
0x59: {  	_ =	shalt  }
0x5a: {  	_ =	shalt  }
0x5b: {  	_ =	shalt  }
0x5c: {  	_ =	shalt  }
0x5d: {  	_ =	shalt  }
0x5e: {  	_ =	shalt  }
0x5f: {  	_ =	shalt  }
0x60: {  	_ =	shalt  }
0x61: {  	_ =	shalt  }
0x62: {  	_ =	shalt  }
0x63: {  	_ =	shalt  }
0x64: {  	_ =	shalt  }
0x65: {  	_ =	shalt  }
0x66: {  	_ =	shalt  }
0x67: {  	_ =	shalt  }
0x68: {  	_ =	shalt  }
0x69: {  	_ =	shalt  }
0x6a: {  	_ =	shalt  }
0x6b: {  	_ =	shalt  }
0x6c: {  	_ =	shalt  }
0x6d: {  	_ =	shalt  }
0x6e: {  	_ =	shalt  }
0x6f: {  	_ =	shalt  }
0x70: {  	_ =	shalt  }
0x71: {  	_ =	shalt  }
0x72: {  	_ =	shalt  }
0x73: {  	_ =	shalt  }
0x74: {  	_ =	shalt  }
0x75: {  	_ =	shalt  }
0x76: {  	_ =	shalt  }
0x77: {  	_ =	shalt  }
0x78: {  	_ =	shalt  }
0x79: {  	_ =	shalt  }
0x7a: {  	_ =	shalt  }
0x7b: {  	_ =	shalt  }
0x7c: {  	_ =	shalt  }
0x7d: {  	_ =	shalt  }
0x7e: {  	_ =	shalt  }
0x7f: {  	_ =	shalt  }
0x80: {  	_ =	shalt  }
0x81: {  	_ =	shalt  }
0x82: {  	_ =	shalt  }
0x83: {  	_ =	shalt  }
0x84: {  	_ =	shalt  }
0x85: {  	_ =	shalt  }
0x86: {  	_ =	shalt  }
0x87: {  	_ =	shalt  }
.Lfunc_end0:
.L_simem_size_0:
called_computation_lowered:
.L_overlay_start_0:
0x88: {  	s2 =	sld [smem:$0x3FD9]  }
0x89: {  	s3 =	sld [smem:$0x3FFE];
	_ =	sdelay $0x1  }
0x8a: {  	s1 =	srdreg.scid  }
0x8b: {  	s0 =	sand.u32 $0x1, s1  }
0x8c: {  	s17 =	sshll.u32 s0, $0xA;
	s2 =	sadd.s32 s3, s2  }
0x8d: {  	s2 =	sadd.s32 s2, s17  }
0x8e: {  	[smem:$0x3FC2] =	sst s2  }
0x8f: {  	_ = 	snop  }
0x90: {  	s2 =	sld [smem:$0x3FC8]  }
0x91: {  	s18 =	sld [smem:$0x3FD0];
	(tm) =	ssettm $0x1  }
0x92: {  	s4 =	sld [smem:$0x3FFB];
	_ =	sdelay $0x3  }
0x93: {  	_ =	strace s4  }
0x94: {  	s4 =	sld [smem:$0x3FFC];
	_ =	sdelay $0x3  }
0x95: {  	_ =	strace s4  }
0x96: {  	s4 =	sld [smem:$0x3FFD];
	_ =	sdelay $0x3  }
0x97: {  	_ =	strace s4  }
0x98: {  	_ =	strace $0x8FFFFFFF  }
0x99: {  	s19 =	sld [smem:$0x3FDB];
	_ =	sdelay $0x1  }
0x9a: {  	s5 =	simm.s32 $_scs_section_size  }
0x9b: {  	s6 =	simm.s32 $_size__tile_overlayer_lowered;
	s7 =	simm.s32 $_tile_overlayer_lowered  }
0x9c: {  	s22 =	simm.s32 $0x1BFF;
	s21 =	sshll.u32 s7, $0x1;
	s4 =	sadd.s32 s5, s19  }
0x9d: {  	s8 =	simm.s32 $0x0;
	s20 =	sshll.u32 s6, $0x1;
	s6 =	sadd.s32 s21, s4  }
0x9e: {  	[timem:s8], [sflag:s22] =	dma.local [hbm:s6], s20  }
0x9f: {  	_ =	swait.ge [sflag:s22], s20  }
0xa0: {  	s5 =	ssub.s32 $0x0, s20;
	[sflag:s22] =	ssyncset.done $0x0  }
0xa1: {  	[sflag:s22] =	ssyncadd.s32 s5;
	_ =	sdelay $0x1  }
0xa2: {  	s23 =	simm.s32 $0x1B8B  }
0xa3: {  	_ =	swait.ge [sflag:s23], $0x1  }
0xa4: {  	[sflag:s23] =	ssyncset.done $0x0  }
0xa5: {  	s25 =	simm.s32 $0x1B8E;
	s24 =	sld [smem:$0x3FFE];
	[sflag:s23] =	ssyncadd.s32 $0xFFFFFFFF  }
0xa6: {  	s26 =	simm.s32 $execute0_lowered;
	[smem:$0x3FD2] =	sst s25  }
0xa7: {  	s6 =	sshll.u32 s26, $0x1;
	_ =	strace $0x80000046;
	[dreg:$0x1] =	wrdreg $0xFFFFFFFF  }
0xa8: {  	s28 =	simm.s32 $_size_execute0_lowered;
	s4 =	sadd.s32 s4, s6;
	[dreg:$0x0] =	wrdreg $0x0  }
0xa9: {  	s6 =	sshll.u32 s28, $0x1;
	[dreg:$0x2] =	wrdreg s4  }
0xaa: {  	[dreg:$0x3] =	wrdreg s6  }
0xab: {  	[dreg:$0x4] =	wrdreg $0xC0  }
0xac: {  	_ =	task [dreg:s8], $0x5FFFF  }
0xad: {  	[dreg:$0x1] =	wrdreg $0xFFFFFFFF  }
0xae: {  	[dreg:$0x0] =	wrdreg $0x60  }
0xaf: {  	[dreg:$0x2] =	wrdreg s24  }
0xb0: {  	[dreg:$0x3] =	wrdreg s2  }
0xb1: {  	[dreg:$0x4] =	wrdreg s18  }
0xb2: {  	[dreg:$0x5] =	wrdreg $0x41000  }
0xb3: {  	[dreg:$0x6] =	wrdreg $0x9  }
0xb4: {  	_ =	task.clear_ibuf [dreg:s8], $0x7FFFF;
	_ =	strace $0x90000046  }
0xb5: {  	s29 =	simm.s32 $0x9;
	_ =	strace $0x80000048  }
0xb6: {  	_ =	swait.ge [sflag:s29], $0x1  }
0xb7: {  	[sflag:s29] =	ssyncadd.s32 $0xFFFFFFFF  }
0xb8: {  	_ =	strace $0x90000048  }
0xb9: {  	_ =	sfence  }
0xba: {  	s30 =	sld [smem:$0x0];
	_ =	sdelay $0x2  }
0xbb: {  	s31 =	sshll.u32 s1, $0xD;
	s1 =	sshrl.u32 s1, $0x2  }
0xbc: {  	s3 =	sand.u32 $0x4000, s31;
	s1 =	sadd.s32 s1, s30  }
0xbd: {  	s0 =	sor.u32 s3, s0;
	s1 =	sshll.u32 s1, $0x11  }
0xbe: {  	s0 =	sor.u32 s1, s0  }
0xbf: {  	s0 =	sadd.s32 $0x8F2B, s0  }
0xc0: {  	[sflag:s0] =	ssyncadd.remote.s32 $0x1  }
0xc1: {  	_ =	sfence.sel $0xFFFF  }
0xc2: {  	[dreg:$0x0] =	wrdreg $0xFFFFFFFF;
	(pc) =	sbr.abs _section_cstart, $3  }
0xc3: {  	[dreg:$0x1] =	wrdreg $0xFFFFFFFF  }
0xc4: {  	_ =	task.clear_ibuf [dreg:s8], $0x2FFFF;
	_ =	strace $0x9FFFFFFF  }
0xc5: {  	(tm) =	ssettm $0x7FFFFFFF  }
tec
execute0_lowered:
.L_overlay_start_1:
0x0: {  	(tag) =	ssettag $0x1  }
0x1: {  	s10 =	rddreg [dreg:$0x0]  }
0x2: {  	s11 =	rddreg [dreg:$0x1]  }
0x3: {  	s1 =	rddreg [dreg:$0x2]  }
0x4: {  	s0 =	srdreg.scid;
	s2 =	rddreg [dreg:$0x3]  }
0x5: {  	s3 =	simm.s32 $0x0;
	s12 =	stileid.u32;
	s17 =	simm.s32 $0x20  }
0x6: {  	s4 =	sand.u32 $0x1, s0;
	s0 =	rddreg [dreg:$0x4];
	s8 =	smul.u32 $0xC000, s12  }
0x7: {  	s18 =	simm.s32 $0x0;
	[smem:$0x7FF] =	sst s3;
	s15 =	smul.u32 $0xC00, s12  }
0x8: {  	p0 =	sne.s32 s12, $0x0;
	s5 =	smul.u32 $0xC0000, s4;
	_ =	strace $0x80000047  }
0x9: {  	s29 =	sshll.u32 s4, $0xD;
	s6 =	ssub.s32 $0x2, s4;
	s13 =	smul.u32 $0xC000, s4  }
0xa: {  	s4 =	sshll.u32 s4, $0x4;
	s9 =	sadd.s32 s29, s10;
	s30 =	sshrl.u32 s6, $0x1  }
0xb: {  	s16 =	sor.u32 s12, s4;
	s4 =	sadd.s32 $0x187400, s10;
	s12 =	sshrl.u32 @!p0 s2, $0x3  }
0xc: {  	s7 =	sadd.s32 s5, s10;
	s14 =	ssub.s32 s6, s30;
	s5 =	sadd.s32 $0x30D0, s11  }
.Ltmp0:
0xd: {  	s6 =	sadd.s32 $0x187600, s9;
	s31 =	sadd.s32 s15, s13;
	(pc) =	sbr.rel .LBB2_1-.Ltmp0, $4  }
0xe: {  	s10 =	sadd.s32 $0x180C00, s10;
	s13 =	simm.s32 $0x1;
	s15 =	simm.s32 $0x80  }
0xf: {  	p1 =	sne.s32 s16, $0x1F;
	s16 =	simm.s32 $0x4080;
	s8 =	sadd.s32 s8, s7  }
0x10: {  	s7 =	smax.u32 s14, $0x1;
	s9 =	sshrl.u32 s31, $0x3;
	s14 =	simm.s32 $0x4000  }
0x11: {  	s8 =	sadd.s32 $0xC00, s8;
	s9 =	sadd.s32 s9, s11;
	s11 =	sadd.s32 $0x3000, s11  }
.LBB2_6:
0x12: {  	[sflag:s13] =	ssyncadd.s32 $0xFFFFC000  }
0x13: {  	[tilespmem:s3], [sflag:$0x1] =	stream.linear.gather [hbm4b:s4+s3], $0x1000, $0x38;
	[tilespmem:$0x5100] =	vst v63  }
0x14: {  	_ =	swait.ge [sflag:s13], $0x1000  }
0x15: {  	[sflag:s13] =	ssyncset.done $0x0  }
0x16: {  	[sflag:s13] =	ssyncadd.s32 $0xFFFFF000  }
0x17: {  	[tilespmem:s16], [sflag:$0x1] =	stream.linear.gather [hbm4b:s5+s3], $0x20, $0x38;
	[tilespmem:$0x5100] =	vst v63  }
0x18: {  	_ =	swait.ge [sflag:s13], $0x20  }
0x19: {  	[sflag:s13] =	ssyncset.done $0x0  }
0x1a: {  	[sflag:s13] =	ssyncadd.s32 $0xFFFFFFE0  }
0x1b: {  	[spmem:s2] =	stream.indirect.scatter.add.f32 [tilespmem:s3], [sflag:$0x1], $0x80, s16, s17, $0xb8;
	[tilespmem:$0x5100] =	vst v63  }
0x1c: {  	_ =	swait.ge [sflag:s13], $0x1000  }
0x1d: {  	[sflag:s13] =	ssyncset.done $0x0  }
0x1e: {  	[sflag:s13] =	ssyncadd.s32 $0xFFFFF000  }
.LBB2_7:
0x1f: {  	[bflag:$0x0] =	sbarrier.arrive $0xFFFF;
	s19 =	simm.s32 @!p0 $0x1C01;
	s18 =	sadd.s32 $0x1, s18  }
0x20: {  	[hbm:s6], [sflag:s19] =	dma.local @!p0 [spmem:s12], $0x2000  }
0x21: {  	p2 =	sne.s32 s18, s7  }
.Ltmp1:
0x22: {  	_ = 	snop;
	(pc) =	sbr.rel @!p2 .LBB2_8-.Ltmp1, $4  }
0x23: {  	s19 =	simm.s32 @!p0 $0x1  }
0x24: {  	_ =	swait.ge @!p0 [sflag:s19], $0x2000  }
0x25: {  	[sflag:s19] =	ssyncset.done @!p0 $0x0  }
0x26: {  	[sflag:s19] =	ssyncadd.s32 @!p0 $0xFFFFE000  }
.LBB2_1:
0x27: {  	s19 =	simm.s32 @!p0 $0x1C01  }
0x28: {  	[spmem:s12], [sflag:s19] =	dma.local @!p0 [hbm:s1], $0x2000  }
0x29: {  	s19 =	simm.s32 @!p0 $0x1  }
0x2a: {  	_ =	swait.ge @!p0 [sflag:s19], $0x2000  }
0x2b: {  	[sflag:s19] =	ssyncset.done @!p0 $0x0  }
0x2c: {  	[sflag:s19] =	ssyncadd.s32 @!p0 $0xFFFFE000  }
0x2d: {  	[bflag:$0x0] =	sbarrier.arrive $0xFFFF  }
0x2e: {  	[tilespmem:s3], [sflag:$0x1] =	stream.linear.gather [hbm4b:s8+s3], $0x4000, $0x38;
	[tilespmem:$0x5100] =	vst v63  }
0x2f: {  	_ =	swait.ge [sflag:s13], $0x4000  }
0x30: {  	[sflag:s13] =	ssyncset.done $0x0  }
0x31: {  	s31 =	sadd.s32 $0x0, s9;
	[sflag:s13] =	ssyncadd.s32 $0xFFFFC000  }
0x32: {  	[tilespmem:s14], [sflag:$0x1] =	stream.linear.gather [hbm4b:s31+s3], $0x80, $0x38;
	[tilespmem:$0x5100] =	vst v63  }
0x33: {  	_ =	swait.ge [sflag:s13], $0x80  }
0x34: {  	[sflag:s13] =	ssyncset.done $0x0  }
0x35: {  	[sflag:s13] =	ssyncadd.s32 $0xFFFFFF80  }
0x36: {  	[spmem:s2] =	stream.indirect.scatter.add.f32 [tilespmem:s3], [sflag:$0x1], $0x80, s14, s15, $0xb8;
	[tilespmem:$0x5100] =	vst v63  }
0x37: {  	_ =	swait.ge [sflag:s13], $0x4000  }
0x38: {  	s20 =	smov.u32 s8;
	s19 =	simm.s32 $0x10;
	[sflag:s13] =	ssyncset.done $0x0  }
.LBB2_2:
0x39: {  	p2 =	sne.s32 s19, $0x170;
	[sflag:s13] =	ssyncadd.s32 $0xFFFFC000;
	s20 =	sadd.s32 $0x800, s20  }
0x3a: {  	[tilespmem:s3], [sflag:$0x1] =	stream.linear.gather [hbm4b:s20+s3], $0x4000, $0x38;
	[tilespmem:$0x5100] =	vst v63  }
0x3b: {  	s21 =	smov.u32 s19;
	s19 =	sadd.s32 $0x10, s19;
	_ =	swait.ge [sflag:s13], $0x4000  }
0x3c: {  	[sflag:s13] =	ssyncset.done $0x0  }
0x3d: {  	s21 =	sadd.s32 s21, s9;
	[sflag:s13] =	ssyncadd.s32 $0xFFFFC000  }
0x3e: {  	[tilespmem:s14], [sflag:$0x1] =	stream.linear.gather [hbm4b:s21+s3], $0x80, $0x38;
	[tilespmem:$0x5100] =	vst v63  }
0x3f: {  	_ =	swait.ge [sflag:s13], $0x80  }
.Ltmp2:
0x40: {  	[sflag:s13] =	ssyncset.done $0x0;
	(pc) =	sbr.rel @p2 .LBB2_2-.Ltmp2, $4  }
0x41: {  	[sflag:s13] =	ssyncadd.s32 $0xFFFFFF80  }
0x42: {  	[spmem:s2] =	stream.indirect.scatter.add.f32 [tilespmem:s3], [sflag:$0x1], $0x80, s14, s15, $0xb8;
	[tilespmem:$0x5100] =	vst v63  }
0x43: {  	_ =	swait.ge [sflag:s13], $0x4000  }
0x44: {  	[sflag:s13] =	ssyncset.done $0x0  }
.Ltmp3:
0x45: {  	(pc) =	sbr.rel @p1 .LBB2_7-.Ltmp3, $2  }
0x46: {  	_ =	sdelay $0x2  }
0x47: {  	[sflag:s13] =	ssyncadd.s32 $0xFFFFC000  }
0x48: {  	[tilespmem:s3], [sflag:$0x1] =	stream.linear.gather [hbm4b:s10+s3], $0x4000, $0x38;
	[tilespmem:$0x5100] =	vst v63  }
0x49: {  	_ =	swait.ge [sflag:s13], $0x4000  }
0x4a: {  	[sflag:s13] =	ssyncset.done $0x0  }
0x4b: {  	s19 =	sadd.s32 $0x0, s11;
	[sflag:s13] =	ssyncadd.s32 $0xFFFFC000  }
0x4c: {  	[tilespmem:s14], [sflag:$0x1] =	stream.linear.gather [hbm4b:s19+s3], $0x80, $0x38;
	[tilespmem:$0x5100] =	vst v63  }
0x4d: {  	_ =	swait.ge [sflag:s13], $0x80  }
0x4e: {  	[sflag:s13] =	ssyncset.done $0x0  }
0x4f: {  	[sflag:s13] =	ssyncadd.s32 $0xFFFFFF80  }
0x50: {  	[spmem:s2] =	stream.indirect.scatter.add.f32 [tilespmem:s3], [sflag:$0x1], $0x80, s14, s15, $0xb8;
	[tilespmem:$0x5100] =	vst v63  }
0x51: {  	_ =	swait.ge [sflag:s13], $0x4000  }
0x52: {  	s20 =	smov.u32 s10;
	s19 =	simm.s32 $0x10;
	[sflag:s13] =	ssyncset.done $0x0  }
.LBB2_5:
0x53: {  	p2 =	sne.s32 s19, $0xC0;
	[sflag:s13] =	ssyncadd.s32 $0xFFFFC000;
	s20 =	sadd.s32 $0x800, s20  }
0x54: {  	[tilespmem:s3], [sflag:$0x1] =	stream.linear.gather [hbm4b:s20+s3], $0x4000, $0x38;
	[tilespmem:$0x5100] =	vst v63  }
0x55: {  	s21 =	smov.u32 s19;
	s19 =	sadd.s32 $0x10, s19;
	_ =	swait.ge [sflag:s13], $0x4000  }
0x56: {  	[sflag:s13] =	ssyncset.done $0x0  }
0x57: {  	s21 =	sadd.s32 s21, s11;
	[sflag:s13] =	ssyncadd.s32 $0xFFFFC000  }
0x58: {  	[tilespmem:s14], [sflag:$0x1] =	stream.linear.gather [hbm4b:s21+s3], $0x80, $0x38;
	[tilespmem:$0x5100] =	vst v63  }
0x59: {  	_ =	swait.ge [sflag:s13], $0x80  }
.Ltmp4:
0x5a: {  	[sflag:s13] =	ssyncset.done $0x0;
	(pc) =	sbr.rel @p2 .LBB2_5-.Ltmp4, $4  }
0x5b: {  	[sflag:s13] =	ssyncadd.s32 $0xFFFFFF80  }
0x5c: {  	[spmem:s2] =	stream.indirect.scatter.add.f32 [tilespmem:s3], [sflag:$0x1], $0x80, s14, s15, $0xb8;
	[tilespmem:$0x5100] =	vst v63  }
0x5d: {  	_ =	swait.ge [sflag:s13], $0x4000  }
0x5e: {  	[sflag:s13] =	ssyncset.done $0x0  }
.Ltmp5:
0x5f: {  	_ = 	snop;
	(pc) =	sbr.rel .LBB2_6-.Ltmp5, $1  }
0x60: {  	_ =	sdelay $0x3  }
.LBB2_8:
0x61: {  	_ =	sfence.sel $0x180000  }
0x62: {  	[bflag:$0x0] =	sbarrier.arrive $0xFFFF  }
0x63: {  	_ =	strace $0x90000047  }
0x64: {  	s0 =	sadd.s32 @!p0 $0x100000, s0;
	[bflag:$0x2] =	sbarrier.arrive $0xFFFF  }
0x65: {  	[sflag:s0] =	ssyncadd.tile.s32 @!p0 $0x1;
	_ =	shalt  }
.Lfunc_end2:
_tile_overlayer_lowered:
.L_overlay_start_2:
0x66: {  	(tag) =	ssettag $0x2  }
0x67: {  	s0 =	rddreg [dreg:$0x0];
	s2 =	stileid.u32  }
0x68: {  	s1 =	rddreg [dreg:$0x1];
	p0 =	sne.s32 s2, $0x0  }
0x69: {  	s3 =	rddreg [dreg:$0x2];
	[bflag:$0x3] =	sbarrier.arrive $0xFFFF;
	s2 =	simm.s32 @!p0 $0x1C01  }
0x6a: {  	[timem:s3], [sflag:s2] =	dma.local @!p0 [hbm:s0], s1  }
0x6b: {  	s0 =	simm.s32 @!p0 $0x1  }
0x6c: {  	_ =	swait.ge @!p0 [sflag:s0], s1  }
0x6d: {  	s1 =	ssub.s32 @!p0 $0x0, s1;
	[sflag:s0] =	ssyncset.done @!p0 $0x0  }
0x6e: {  	[sflag:s0] =	ssyncadd.s32 @!p0 s1  }
0x6f: {  	[bflag:$0x3] =	sbarrier.arrive $0xFFFF  }
0x70: {  	_ =	shalt  }

</sc_bundles>
